<compile_context>
chip_gen: v7x
topology: tpu7x:2x2x1
jax: 0.10.2.dev20260603
libtpu: 0.0.44.dev20260713+nightly
codegen_flags: <defaults>
</compile_context>

<pallas_src>
import functools

import jax
import jax.numpy as jnp
from jax import lax
from jax.experimental import pallas as pl
from jax.experimental.pallas import tpu as pltpu
from jax.experimental.pallas import tpu_sc as plsc

NC = 2
NS = 16
NW = NC * NS
D = 128
N = 64
S = 4


@functools.partial(jax.jit, static_argnames=("bc",))
def _run(src, pth, tgt, token_table, path_table, bc):
    per_w = bc // NW
    steps = per_w // N
    groups = steps // S
    mesh = plsc.VectorSubcoreMesh(core_axis_name="c", subcore_axis_name="s")

    @functools.partial(
        pl.kernel,
        mesh=mesh,
        out_type=jax.ShapeDtypeStruct((bc, 3 * D), jnp.float32),
        scratch_types=[
            pltpu.VMEM((per_w,), jnp.int32),
            pltpu.VMEM((per_w,), jnp.int32),
            pltpu.VMEM((per_w,), jnp.int32),
        ] + [pltpu.VMEM((N, 3 * D), jnp.float32)] * S
          + [pltpu.SemaphoreType.DMA] * (4 * S),
    )
    def k(src_hbm, pth_hbm, tgt_hbm, token_hbm, path_hbm, out_hbm,
          src_v, pth_v, tgt_v, *bufs_and_sems):
        bufs = bufs_and_sems[:S]
        gsems = [bufs_and_sems[S + 3 * s:S + 3 * s + 3] for s in range(S)]
        wsems = bufs_and_sems[4 * S:5 * S]
        wid = lax.axis_index("s") * NC + lax.axis_index("c")
        base = wid * per_w
        pltpu.sync_copy(src_hbm.at[pl.ds(base, per_w)], src_v)
        pltpu.sync_copy(pth_hbm.at[pl.ds(base, per_w)], pth_v)
        pltpu.sync_copy(tgt_hbm.at[pl.ds(base, per_w)], tgt_v)

        sets = tuple((bufs[s], gsems[s], wsems[s]) for s in range(S))

        def gfire(t, s):
            b, g, _ = sets[s]
            off = t * N
            pltpu.async_copy(token_hbm.at[src_v.at[pl.ds(off, N)]], b.at[:, pl.ds(0, D)], g[0])
            pltpu.async_copy(path_hbm.at[pth_v.at[pl.ds(off, N)]], b.at[:, pl.ds(D, D)], g[1])
            pltpu.async_copy(token_hbm.at[tgt_v.at[pl.ds(off, N)]], b.at[:, pl.ds(2 * D, D)], g[2])

        def gwait_band(s, f):
            b, g, _ = sets[s]
            pltpu.make_async_copy(out_hbm.at[pl.ds(0, N), pl.ds(0, D)], b.at[:, pl.ds(f * D, D)], g[f]).wait()

        def wfire_band(t, s, f):
            b, _, w = sets[s]
            row0 = base + t * N
            pltpu.async_copy(b.at[:, pl.ds(f * D, D)], out_hbm.at[pl.ds(row0, N), pl.ds(f * D, D)], w)

        def wwait(s):
            b, _, w = sets[s]
            for f in range(3):
                pltpu.make_async_copy(b.at[:, pl.ds(f * D, D)], out_hbm.at[pl.ds(0, N), pl.ds(0, D)], w).wait()

        gfire(0, 0)
        gfire(1, 1)

        def body(i, carry):
            for a in range(S):
                t = S * i + a
                for f in range(3):
                    gwait_band(a, f)
                    wfire_band(t, a, f)
                sn = (a + 2) % S
                with jax.named_scope("drain_w"):
                    @pl.when(t >= 2)
                    def _():
                        wwait(sn)
                with jax.named_scope("next_g"):
                    @pl.when(t + 2 < steps)
                    def _():
                        gfire(t + 2, sn)
            return carry

        lax.fori_loop(0, groups, body, 0)
        wwait((steps - 2) % S)
        wwait((steps - 1) % S)

    return k(src, pth, tgt, token_table, path_table)


def kernel(path_source_token_idxs, path_idxs, path_target_token_idxs, token_table, path_table):
    b, c = path_source_token_idxs.shape
    bc = b * c
    src = path_source_token_idxs.reshape(bc).astype(jnp.int32)
    pth = path_idxs.reshape(bc).astype(jnp.int32)
    tgt = path_target_token_idxs.reshape(bc).astype(jnp.int32)
    out = _run(src, pth, tgt, token_table, path_table, bc)
    return out.reshape(b, c, 3 * D)

# --- scband reference (transcript-rebuilt; emitter-appended) ---
"""Pipeline reference for scband-code2-vec-embedding-9491877724660 (READ-ONLY COPY).

The authoritative reference and input builder live on the scoring server;
editing this copy changes nothing except your own understanding.
"""

import jax, jax.numpy as jnp
import numpy as np

N_TOKEN_EMBEDDINGS = 100000
TOKEN_EMBEDDINGS_SIZE = 128
N_PATH_EMBEDDINGS = 100000
PATH_EMBEDDINGS_SIZE = 128
BATCH = 1024
MAX_CONTEXTS = 200


def setup_inputs(seed: int = 0) -> dict:
    key = jax.random.key(seed)
    k1, k2, k3, k4, k5 = jax.random.split(key, 5)
    path_source_token_idxs = jax.random.randint(k1, (BATCH, MAX_CONTEXTS), 0, N_TOKEN_EMBEDDINGS, dtype=jnp.int64 if jax.config.jax_enable_x64 else jnp.int32)
    path_idxs = jax.random.randint(k2, (BATCH, MAX_CONTEXTS), 0, N_PATH_EMBEDDINGS, dtype=jnp.int64 if jax.config.jax_enable_x64 else jnp.int32)
    path_target_token_idxs = jax.random.randint(k3, (BATCH, MAX_CONTEXTS), 0, N_TOKEN_EMBEDDINGS, dtype=jnp.int64 if jax.config.jax_enable_x64 else jnp.int32)
    # learned parameters (keras Embedding default: uniform init)
    token_table = jax.random.uniform(k4, (N_TOKEN_EMBEDDINGS, TOKEN_EMBEDDINGS_SIZE), minval=-0.05, maxval=0.05, dtype=jnp.float32)
    path_table = jax.random.uniform(k5, (N_PATH_EMBEDDINGS, PATH_EMBEDDINGS_SIZE), minval=-0.05, maxval=0.05, dtype=jnp.float32)
    return {
        "path_source_token_idxs": path_source_token_idxs,
        "path_idxs": path_idxs,
        "path_target_token_idxs": path_target_token_idxs,
        "token_table": token_table,
        "path_table": path_table,
    }


def reference(path_source_token_idxs, path_idxs, path_target_token_idxs, token_table, path_table):
    # Faithful translation of Code2VecEmbedding.call
    source_word_embed = jnp.take(token_table, path_source_token_idxs, axis=0)   # [B, C, 128]
    path_embed = jnp.take(path_table, path_idxs, axis=0)                         # [B, C, 128]
    target_word_embed = jnp.take(token_table, path_target_token_idxs, axis=0)    # [B, C, 128]
    context_embed = jnp.concatenate([source_word_embed, path_embed, target_word_embed], axis=-1)  # [B, C, 384]
    return context_embed

if __name__ == "__main__":
    import jax
    _d = setup_inputs()
    print(jax.jit(kernel)(*tuple(_d.values())))

</pallas_src>

<mosaic_0001>
#map = affine_map<(d0, d1) -> (0)>
#map1 = affine_map<(d0, d1) -> (0, 0)>
module attributes {stable_mosaic.version = 14 : i64} {
  func.func @k(%arg0: i32, %arg1: i32, %arg2: memref<204800xi32, #tpu.memory_space<hbm>>, %arg3: memref<204800xi32, #tpu.memory_space<hbm>>, %arg4: memref<204800xi32, #tpu.memory_space<hbm>>, %arg5: memref<100000x128xf32, #tpu.memory_space<hbm>>, %arg6: memref<100000x128xf32, #tpu.memory_space<hbm>>, %arg7: memref<204800x384xf32, #tpu.memory_space<hbm>>, %arg8: memref<6400xi32, #tpu.memory_space<vmem>>, %arg9: memref<6400xi32, #tpu.memory_space<vmem>>, %arg10: memref<6400xi32, #tpu.memory_space<vmem>>, %arg11: memref<64x384xf32, #tpu.memory_space<vmem>>, %arg12: memref<64x384xf32, #tpu.memory_space<vmem>>, %arg13: memref<64x384xf32, #tpu.memory_space<vmem>>, %arg14: memref<64x384xf32, #tpu.memory_space<vmem>>, %arg15: memref<!tpu.dma_semaphore, #tpu.memory_space<semaphore_mem>>, %arg16: memref<!tpu.dma_semaphore, #tpu.memory_space<semaphore_mem>>, %arg17: memref<!tpu.dma_semaphore, #tpu.memory_space<semaphore_mem>>, %arg18: memref<!tpu.dma_semaphore, #tpu.memory_space<semaphore_mem>>, %arg19: memref<!tpu.dma_semaphore, #tpu.memory_space<semaphore_mem>>, %arg20: memref<!tpu.dma_semaphore, #tpu.memory_space<semaphore_mem>>, %arg21: memref<!tpu.dma_semaphore, #tpu.memory_space<semaphore_mem>>, %arg22: memref<!tpu.dma_semaphore, #tpu.memory_space<semaphore_mem>>, %arg23: memref<!tpu.dma_semaphore, #tpu.memory_space<semaphore_mem>>, %arg24: memref<!tpu.dma_semaphore, #tpu.memory_space<semaphore_mem>>, %arg25: memref<!tpu.dma_semaphore, #tpu.memory_space<semaphore_mem>>, %arg26: memref<!tpu.dma_semaphore, #tpu.memory_space<semaphore_mem>>, %arg27: memref<!tpu.dma_semaphore, #tpu.memory_space<semaphore_mem>>, %arg28: memref<!tpu.dma_semaphore, #tpu.memory_space<semaphore_mem>>, %arg29: memref<!tpu.dma_semaphore, #tpu.memory_space<semaphore_mem>>, %arg30: memref<!tpu.dma_semaphore, #tpu.memory_space<semaphore_mem>>) attributes {dimension_semantics = [#tpu.dimension_semantics<core_parallel>, #tpu.dimension_semantics<subcore_parallel>], iteration_bounds = array<i64: 2, 16>, scalar_prefetch = 0 : i64, scratch_operands = 23 : i64, tpu.core_type = #tpu.core_type<sc_vector_subcore>, window_params = [{transform_indices = #map}, {transform_indices = #map}, {transform_indices = #map}, {transform_indices = #map1}, {transform_indices = #map1}, {transform_indices = #map1}]} {
    %mul3A = arith.constant 2 : i32
    %mul3A_0 = arith.muli %arg1, %mul3A : i32
    %add3A = arith.addi %mul3A_0, %arg0 : i32
    %mul3A_1 = arith.constant 6400 : i32
    %mul3A_2 = arith.muli %add3A, %mul3A_1 : i32
    "tpu.region"() ({
      %run_scoped3A = tpu.sem_alloc : memref<!tpu.dma_semaphore, #tpu.memory_space<semaphore_mem>>
      %dma_start3A_126 = tpu.memref_slice %arg2[%mul3A_2] : memref<204800xi32, #tpu.memory_space<hbm>> -> memref<6400xi32, #tpu.memory_space<hbm>>
      %dma_start3A_127 = tpu.memref_slice %arg2[%mul3A_2] : memref<204800xi32, #tpu.memory_space<hbm>> -> memref<6400xi32, #tpu.memory_space<hbm>>
      tpu.enqueue_dma source(%dma_start3A_127 : memref<6400xi32, #tpu.memory_space<hbm>>) target(%arg8 : memref<6400xi32, #tpu.memory_space<vmem>>) target_semaphore(%run_scoped3A : memref<!tpu.dma_semaphore, #tpu.memory_space<semaphore_mem>>)
      %dma_wait3A_128 = tpu.memref_slice %arg2[%mul3A_2] : memref<204800xi32, #tpu.memory_space<hbm>> -> memref<6400xi32, #tpu.memory_space<hbm>>
      %dma_wait3A_129 = tpu.memref_slice %arg2[%mul3A_2] : memref<204800xi32, #tpu.memory_space<hbm>> -> memref<6400xi32, #tpu.memory_space<hbm>>
      tpu.wait_dma2 semaphore(%run_scoped3A : memref<!tpu.dma_semaphore, #tpu.memory_space<semaphore_mem>>) src(%dma_wait3A_129 : memref<6400xi32, #tpu.memory_space<hbm>>) dst(%arg8 : memref<6400xi32, #tpu.memory_space<vmem>>)
      tpu.yield
    }) : () -> ()
    "tpu.region"() ({
      %run_scoped3A = tpu.sem_alloc : memref<!tpu.dma_semaphore, #tpu.memory_space<semaphore_mem>>
      %dma_start3A_126 = tpu.memref_slice %arg3[%mul3A_2] : memref<204800xi32, #tpu.memory_space<hbm>> -> memref<6400xi32, #tpu.memory_space<hbm>>
      %dma_start3A_127 = tpu.memref_slice %arg3[%mul3A_2] : memref<204800xi32, #tpu.memory_space<hbm>> -> memref<6400xi32, #tpu.memory_space<hbm>>
      tpu.enqueue_dma source(%dma_start3A_127 : memref<6400xi32, #tpu.memory_space<hbm>>) target(%arg9 : memref<6400xi32, #tpu.memory_space<vmem>>) target_semaphore(%run_scoped3A : memref<!tpu.dma_semaphore, #tpu.memory_space<semaphore_mem>>)
      %dma_wait3A_128 = tpu.memref_slice %arg3[%mul3A_2] : memref<204800xi32, #tpu.memory_space<hbm>> -> memref<6400xi32, #tpu.memory_space<hbm>>
      %dma_wait3A_129 = tpu.memref_slice %arg3[%mul3A_2] : memref<204800xi32, #tpu.memory_space<hbm>> -> memref<6400xi32, #tpu.memory_space<hbm>>
      tpu.wait_dma2 semaphore(%run_scoped3A : memref<!tpu.dma_semaphore, #tpu.memory_space<semaphore_mem>>) src(%dma_wait3A_129 : memref<6400xi32, #tpu.memory_space<hbm>>) dst(%arg9 : memref<6400xi32, #tpu.memory_space<vmem>>)
      tpu.yield
    }) : () -> ()
    "tpu.region"() ({
      %run_scoped3A = tpu.sem_alloc : memref<!tpu.dma_semaphore, #tpu.memory_space<semaphore_mem>>
      %dma_start3A_126 = tpu.memref_slice %arg4[%mul3A_2] : memref<204800xi32, #tpu.memory_space<hbm>> -> memref<6400xi32, #tpu.memory_space<hbm>>
      %dma_start3A_127 = tpu.memref_slice %arg4[%mul3A_2] : memref<204800xi32, #tpu.memory_space<hbm>> -> memref<6400xi32, #tpu.memory_space<hbm>>
      tpu.enqueue_dma source(%dma_start3A_127 : memref<6400xi32, #tpu.memory_space<hbm>>) target(%arg10 : memref<6400xi32, #tpu.memory_space<vmem>>) target_semaphore(%run_scoped3A : memref<!tpu.dma_semaphore, #tpu.memory_space<semaphore_mem>>)
      %dma_wait3A_128 = tpu.memref_slice %arg4[%mul3A_2] : memref<204800xi32, #tpu.memory_space<hbm>> -> memref<6400xi32, #tpu.memory_space<hbm>>
      %dma_wait3A_129 = tpu.memref_slice %arg4[%mul3A_2] : memref<204800xi32, #tpu.memory_space<hbm>> -> memref<6400xi32, #tpu.memory_space<hbm>>
      tpu.wait_dma2 semaphore(%run_scoped3A : memref<!tpu.dma_semaphore, #tpu.memory_space<semaphore_mem>>) src(%dma_wait3A_129 : memref<6400xi32, #tpu.memory_space<hbm>>) dst(%arg10 : memref<6400xi32, #tpu.memory_space<vmem>>)
      tpu.yield
    }) : () -> ()
    %dma_start3A = arith.constant 0 : i32
    %dma_start3A_3 = arith.constant 0 : i32
    %dma_start3A_4 = tpu.memref_slice %arg11[%dma_start3A, %dma_start3A_3] : memref<64x384xf32, #tpu.memory_space<vmem>> -> memref<64x128xf32, #tpu.memory_space<vmem>>
    %dma_start3A_5 = arith.constant 0 : i32
    %dma_start3A_6 = tpu.memref_slice %arg8[%dma_start3A_5] : memref<6400xi32, #tpu.memory_space<vmem>> -> memref<64xi32, #tpu.memory_space<vmem>>
    %dma_start3A_7 = arith.constant 0 : i32
    %dma_start3A_8 = arith.constant 0 : i32
    %dma_start3A_9 = tpu.memref_slice %arg5[%dma_start3A_7, %dma_start3A_8] : memref<100000x128xf32, #tpu.memory_space<hbm>> -> memref<100000x128xf32, #tpu.memory_space<hbm>>
    tpu.enqueue_indirect_dma source(%dma_start3A_9 : memref<100000x128xf32, #tpu.memory_space<hbm>>) target(%dma_start3A_4 : memref<64x128xf32, #tpu.memory_space<vmem>>) offsets(%dma_start3A_6 : memref<64xi32, #tpu.memory_space<vmem>>) semaphore(%arg15 : memref<!tpu.dma_semaphore, #tpu.memory_space<semaphore_mem>>)
    %dma_start3A_10 = arith.constant 0 : i32
    %dma_start3A_11 = arith.constant 128 : i32
    %dma_start3A_12 = tpu.memref_slice %arg11[%dma_start3A_10, %dma_start3A_11] : memref<64x384xf32, #tpu.memory_space<vmem>> -> memref<64x128xf32, #tpu.memory_space<vmem>>
    %dma_start3A_13 = arith.constant 0 : i32
    %dma_start3A_14 = tpu.memref_slice %arg9[%dma_start3A_13] : memref<6400xi32, #tpu.memory_space<vmem>> -> memref<64xi32, #tpu.memory_space<vmem>>
    %dma_start3A_15 = arith.constant 0 : i32
    %dma_start3A_16 = arith.constant 0 : i32
    %dma_start3A_17 = tpu.memref_slice %arg6[%dma_start3A_15, %dma_start3A_16] : memref<100000x128xf32, #tpu.memory_space<hbm>> -> memref<100000x128xf32, #tpu.memory_space<hbm>>
    tpu.enqueue_indirect_dma source(%dma_start3A_17 : memref<100000x128xf32, #tpu.memory_space<hbm>>) target(%dma_start3A_12 : memref<64x128xf32, #tpu.memory_space<vmem>>) offsets(%dma_start3A_14 : memref<64xi32, #tpu.memory_space<vmem>>) semaphore(%arg16 : memref<!tpu.dma_semaphore, #tpu.memory_space<semaphore_mem>>)
    %dma_start3A_18 = arith.constant 0 : i32
    %dma_start3A_19 = arith.constant 256 : i32
    %dma_start3A_20 = tpu.memref_slice %arg11[%dma_start3A_18, %dma_start3A_19] : memref<64x384xf32, #tpu.memory_space<vmem>> -> memref<64x128xf32, #tpu.memory_space<vmem>>
    %dma_start3A_21 = arith.constant 0 : i32
    %dma_start3A_22 = tpu.memref_slice %arg10[%dma_start3A_21] : memref<6400xi32, #tpu.memory_space<vmem>> -> memref<64xi32, #tpu.memory_space<vmem>>
    %dma_start3A_23 = arith.constant 0 : i32
    %dma_start3A_24 = arith.constant 0 : i32
    %dma_start3A_25 = tpu.memref_slice %arg5[%dma_start3A_23, %dma_start3A_24] : memref<100000x128xf32, #tpu.memory_space<hbm>> -> memref<100000x128xf32, #tpu.memory_space<hbm>>
    tpu.enqueue_indirect_dma source(%dma_start3A_25 : memref<100000x128xf32, #tpu.memory_space<hbm>>) target(%dma_start3A_20 : memref<64x128xf32, #tpu.memory_space<vmem>>) offsets(%dma_start3A_22 : memref<64xi32, #tpu.memory_space<vmem>>) semaphore(%arg17 : memref<!tpu.dma_semaphore, #tpu.memory_space<semaphore_mem>>)
    %dma_start3A_26 = arith.constant 0 : i32
    %dma_start3A_27 = arith.constant 0 : i32
    %dma_start3A_28 = tpu.memref_slice %arg12[%dma_start3A_26, %dma_start3A_27] : memref<64x384xf32, #tpu.memory_space<vmem>> -> memref<64x128xf32, #tpu.memory_space<vmem>>
    %dma_start3A_29 = arith.constant 64 : i32
    %dma_start3A_30 = tpu.memref_slice %arg8[%dma_start3A_29] : memref<6400xi32, #tpu.memory_space<vmem>> -> memref<64xi32, #tpu.memory_space<vmem>>
    %dma_start3A_31 = arith.constant 0 : i32
    %dma_start3A_32 = arith.constant 0 : i32
    %dma_start3A_33 = tpu.memref_slice %arg5[%dma_start3A_31, %dma_start3A_32] : memref<100000x128xf32, #tpu.memory_space<hbm>> -> memref<100000x128xf32, #tpu.memory_space<hbm>>
    tpu.enqueue_indirect_dma source(%dma_start3A_33 : memref<100000x128xf32, #tpu.memory_space<hbm>>) target(%dma_start3A_28 : memref<64x128xf32, #tpu.memory_space<vmem>>) offsets(%dma_start3A_30 : memref<64xi32, #tpu.memory_space<vmem>>) semaphore(%arg18 : memref<!tpu.dma_semaphore, #tpu.memory_space<semaphore_mem>>)
    %dma_start3A_34 = arith.constant 0 : i32
    %dma_start3A_35 = arith.constant 128 : i32
    %dma_start3A_36 = tpu.memref_slice %arg12[%dma_start3A_34, %dma_start3A_35] : memref<64x384xf32, #tpu.memory_space<vmem>> -> memref<64x128xf32, #tpu.memory_space<vmem>>
    %dma_start3A_37 = arith.constant 64 : i32
    %dma_start3A_38 = tpu.memref_slice %arg9[%dma_start3A_37] : memref<6400xi32, #tpu.memory_space<vmem>> -> memref<64xi32, #tpu.memory_space<vmem>>
    %dma_start3A_39 = arith.constant 0 : i32
    %dma_start3A_40 = arith.constant 0 : i32
    %dma_start3A_41 = tpu.memref_slice %arg6[%dma_start3A_39, %dma_start3A_40] : memref<100000x128xf32, #tpu.memory_space<hbm>> -> memref<100000x128xf32, #tpu.memory_space<hbm>>
    tpu.enqueue_indirect_dma source(%dma_start3A_41 : memref<100000x128xf32, #tpu.memory_space<hbm>>) target(%dma_start3A_36 : memref<64x128xf32, #tpu.memory_space<vmem>>) offsets(%dma_start3A_38 : memref<64xi32, #tpu.memory_space<vmem>>) semaphore(%arg19 : memref<!tpu.dma_semaphore, #tpu.memory_space<semaphore_mem>>)
    %dma_start3A_42 = arith.constant 0 : i32
    %dma_start3A_43 = arith.constant 256 : i32
    %dma_start3A_44 = tpu.memref_slice %arg12[%dma_start3A_42, %dma_start3A_43] : memref<64x384xf32, #tpu.memory_space<vmem>> -> memref<64x128xf32, #tpu.memory_space<vmem>>
    %dma_start3A_45 = arith.constant 64 : i32
    %dma_start3A_46 = tpu.memref_slice %arg10[%dma_start3A_45] : memref<6400xi32, #tpu.memory_space<vmem>> -> memref<64xi32, #tpu.memory_space<vmem>>
    %dma_start3A_47 = arith.constant 0 : i32
    %dma_start3A_48 = arith.constant 0 : i32
    %dma_start3A_49 = tpu.memref_slice %arg5[%dma_start3A_47, %dma_start3A_48] : memref<100000x128xf32, #tpu.memory_space<hbm>> -> memref<100000x128xf32, #tpu.memory_space<hbm>>
    tpu.enqueue_indirect_dma source(%dma_start3A_49 : memref<100000x128xf32, #tpu.memory_space<hbm>>) target(%dma_start3A_44 : memref<64x128xf32, #tpu.memory_space<vmem>>) offsets(%dma_start3A_46 : memref<64xi32, #tpu.memory_space<vmem>>) semaphore(%arg20 : memref<!tpu.dma_semaphore, #tpu.memory_space<semaphore_mem>>)
    %scan3A = arith.constant 0 : i32
    %scan3A_50 = arith.constant 0 : i32
    %scan3A_51 = arith.constant 25 : i32
    %scan3A_52 = arith.addi %scan3A_50, %scan3A_51 : i32
    %scan3A_53 = arith.constant 1 : i32
    scf.for %scan3A_126 = %scan3A_50 to %scan3A_52 step %scan3A_53  : i32 {
      %mul3A_127 = arith.constant 4 : i32
      %mul3A_128 = arith.muli %mul3A_127, %scan3A_126 : i32
      %add3A_129 = arith.constant 0 : i32
      %add3A_130 = arith.addi %mul3A_128, %add3A_129 : i32
      %dma_wait3A_131 = arith.constant 0 : i32
      %dma_wait3A_132 = arith.constant 0 : i32
      %dma_wait3A_133 = tpu.memref_slice %arg11[%dma_wait3A_131, %dma_wait3A_132] : memref<64x384xf32, #tpu.memory_space<vmem>> -> memref<64x128xf32, #tpu.memory_space<vmem>>
      %dma_wait3A_134 = arith.constant 0 : i32
      %dma_wait3A_135 = arith.constant 0 : i32
      %dma_wait3A_136 = tpu.memref_slice %arg7[%dma_wait3A_134, %dma_wait3A_135] : memref<204800x384xf32, #tpu.memory_space<hbm>> -> memref<64x128xf32, #tpu.memory_space<hbm>>
      %dma_wait3A_137 = arith.constant 0 : i32
      %dma_wait3A_138 = arith.constant 0 : i32
      %dma_wait3A_139 = tpu.memref_slice %arg11[%dma_wait3A_137, %dma_wait3A_138] : memref<64x384xf32, #tpu.memory_space<vmem>> -> memref<64x128xf32, #tpu.memory_space<vmem>>
      %dma_wait3A_140 = arith.constant 0 : i32
      %dma_wait3A_141 = arith.constant 0 : i32
      %dma_wait3A_142 = tpu.memref_slice %arg7[%dma_wait3A_140, %dma_wait3A_141] : memref<204800x384xf32, #tpu.memory_space<hbm>> -> memref<64x128xf32, #tpu.memory_space<hbm>>
      tpu.wait_dma2 semaphore(%arg15 : memref<!tpu.dma_semaphore, #tpu.memory_space<semaphore_mem>>) src(%dma_wait3A_142 : memref<64x128xf32, #tpu.memory_space<hbm>>) dst(%dma_wait3A_139 : memref<64x128xf32, #tpu.memory_space<vmem>>)
      %mul3A_143 = arith.constant 64 : i32
      %mul3A_144 = arith.muli %add3A_130, %mul3A_143 : i32
      %add3A_145 = arith.addi %mul3A_2, %mul3A_144 : i32
      %dma_start3A_146 = arith.constant 0 : i32
      %dma_start3A_147 = arith.constant 0 : i32
      %dma_start3A_148 = tpu.memref_slice %arg11[%dma_start3A_146, %dma_start3A_147] : memref<64x384xf32, #tpu.memory_space<vmem>> -> memref<64x128xf32, #tpu.memory_space<vmem>>
      %dma_start3A_149 = arith.constant 0 : i32
      %dma_start3A_150 = tpu.memref_slice %arg7[%add3A_145, %dma_start3A_149] : memref<204800x384xf32, #tpu.memory_space<hbm>> -> memref<64x128xf32, #tpu.memory_space<hbm>>
      %dma_start3A_151 = arith.constant 0 : i32
      %dma_start3A_152 = tpu.memref_slice %arg7[%add3A_145, %dma_start3A_151] : memref<204800x384xf32, #tpu.memory_space<hbm>> -> memref<64x128xf32, #tpu.memory_space<hbm>>
      %dma_start3A_153 = arith.constant 0 : i32
      %dma_start3A_154 = arith.constant 0 : i32
      %dma_start3A_155 = tpu.memref_slice %arg11[%dma_start3A_153, %dma_start3A_154] : memref<64x384xf32, #tpu.memory_space<vmem>> -> memref<64x128xf32, #tpu.memory_space<vmem>>
      tpu.enqueue_dma source(%dma_start3A_155 : memref<64x128xf32, #tpu.memory_space<vmem>>) target(%dma_start3A_152 : memref<64x128xf32, #tpu.memory_space<hbm>>) target_semaphore(%arg27 : memref<!tpu.dma_semaphore, #tpu.memory_space<semaphore_mem>>)
      %dma_wait3A_156 = arith.constant 0 : i32
      %dma_wait3A_157 = arith.constant 128 : i32
      %dma_wait3A_158 = tpu.memref_slice %arg11[%dma_wait3A_156, %dma_wait3A_157] : memref<64x384xf32, #tpu.memory_space<vmem>> -> memref<64x128xf32, #tpu.memory_space<vmem>>
      %dma_wait3A_159 = arith.constant 0 : i32
      %dma_wait3A_160 = arith.constant 0 : i32
      %dma_wait3A_161 = tpu.memref_slice %arg7[%dma_wait3A_159, %dma_wait3A_160] : memref<204800x384xf32, #tpu.memory_space<hbm>> -> memref<64x128xf32, #tpu.memory_space<hbm>>
      %dma_wait3A_162 = arith.constant 0 : i32
      %dma_wait3A_163 = arith.constant 128 : i32
      %dma_wait3A_164 = tpu.memref_slice %arg11[%dma_wait3A_162, %dma_wait3A_163] : memref<64x384xf32, #tpu.memory_space<vmem>> -> memref<64x128xf32, #tpu.memory_space<vmem>>
      %dma_wait3A_165 = arith.constant 0 : i32
      %dma_wait3A_166 = arith.constant 0 : i32
      %dma_wait3A_167 = tpu.memref_slice %arg7[%dma_wait3A_165, %dma_wait3A_166] : memref<204800x384xf32, #tpu.memory_space<hbm>> -> memref<64x128xf32, #tpu.memory_space<hbm>>
      tpu.wait_dma2 semaphore(%arg16 : memref<!tpu.dma_semaphore, #tpu.memory_space<semaphore_mem>>) src(%dma_wait3A_167 : memref<64x128xf32, #tpu.memory_space<hbm>>) dst(%dma_wait3A_164 : memref<64x128xf32, #tpu.memory_space<vmem>>)
      %mul3A_168 = arith.constant 64 : i32
      %mul3A_169 = arith.muli %add3A_130, %mul3A_168 : i32
      %add3A_170 = arith.addi %mul3A_2, %mul3A_169 : i32
      %dma_start3A_171 = arith.constant 0 : i32
      %dma_start3A_172 = arith.constant 128 : i32
      %dma_start3A_173 = tpu.memref_slice %arg11[%dma_start3A_171, %dma_start3A_172] : memref<64x384xf32, #tpu.memory_space<vmem>> -> memref<64x128xf32, #tpu.memory_space<vmem>>
      %dma_start3A_174 = arith.constant 128 : i32
      %dma_start3A_175 = tpu.memref_slice %arg7[%add3A_170, %dma_start3A_174] : memref<204800x384xf32, #tpu.memory_space<hbm>> -> memref<64x128xf32, #tpu.memory_space<hbm>>
      %dma_start3A_176 = arith.constant 128 : i32
      %dma_start3A_177 = tpu.memref_slice %arg7[%add3A_170, %dma_start3A_176] : memref<204800x384xf32, #tpu.memory_space<hbm>> -> memref<64x128xf32, #tpu.memory_space<hbm>>
      %dma_start3A_178 = arith.constant 0 : i32
      %dma_start3A_179 = arith.constant 128 : i32
      %dma_start3A_180 = tpu.memref_slice %arg11[%dma_start3A_178, %dma_start3A_179] : memref<64x384xf32, #tpu.memory_space<vmem>> -> memref<64x128xf32, #tpu.memory_space<vmem>>
      tpu.enqueue_dma source(%dma_start3A_180 : memref<64x128xf32, #tpu.memory_space<vmem>>) target(%dma_start3A_177 : memref<64x128xf32, #tpu.memory_space<hbm>>) target_semaphore(%arg27 : memref<!tpu.dma_semaphore, #tpu.memory_space<semaphore_mem>>)
      %dma_wait3A_181 = arith.constant 0 : i32
      %dma_wait3A_182 = arith.constant 256 : i32
      %dma_wait3A_183 = tpu.memref_slice %arg11[%dma_wait3A_181, %dma_wait3A_182] : memref<64x384xf32, #tpu.memory_space<vmem>> -> memref<64x128xf32, #tpu.memory_space<vmem>>
      %dma_wait3A_184 = arith.constant 0 : i32
      %dma_wait3A_185 = arith.constant 0 : i32
      %dma_wait3A_186 = tpu.memref_slice %arg7[%dma_wait3A_184, %dma_wait3A_185] : memref<204800x384xf32, #tpu.memory_space<hbm>> -> memref<64x128xf32, #tpu.memory_space<hbm>>
      %dma_wait3A_187 = arith.constant 0 : i32
      %dma_wait3A_188 = arith.constant 256 : i32
      %dma_wait3A_189 = tpu.memref_slice %arg11[%dma_wait3A_187, %dma_wait3A_188] : memref<64x384xf32, #tpu.memory_space<vmem>> -> memref<64x128xf32, #tpu.memory_space<vmem>>
      %dma_wait3A_190 = arith.constant 0 : i32
      %dma_wait3A_191 = arith.constant 0 : i32
      %dma_wait3A_192 = tpu.memref_slice %arg7[%dma_wait3A_190, %dma_wait3A_191] : memref<204800x384xf32, #tpu.memory_space<hbm>> -> memref<64x128xf32, #tpu.memory_space<hbm>>
      tpu.wait_dma2 semaphore(%arg17 : memref<!tpu.dma_semaphore, #tpu.memory_space<semaphore_mem>>) src(%dma_wait3A_192 : memref<64x128xf32, #tpu.memory_space<hbm>>) dst(%dma_wait3A_189 : memref<64x128xf32, #tpu.memory_space<vmem>>)
      %mul3A_193 = arith.constant 64 : i32
      %mul3A_194 = arith.muli %add3A_130, %mul3A_193 : i32
      %add3A_195 = arith.addi %mul3A_2, %mul3A_194 : i32
      %dma_start3A_196 = arith.constant 0 : i32
      %dma_start3A_197 = arith.constant 256 : i32
      %dma_start3A_198 = tpu.memref_slice %arg11[%dma_start3A_196, %dma_start3A_197] : memref<64x384xf32, #tpu.memory_space<vmem>> -> memref<64x128xf32, #tpu.memory_space<vmem>>
      %dma_start3A_199 = arith.constant 256 : i32
      %dma_start3A_200 = tpu.memref_slice %arg7[%add3A_195, %dma_start3A_199] : memref<204800x384xf32, #tpu.memory_space<hbm>> -> memref<64x128xf32, #tpu.memory_space<hbm>>
      %dma_start3A_201 = arith.constant 256 : i32
      %dma_start3A_202 = tpu.memref_slice %arg7[%add3A_195, %dma_start3A_201] : memref<204800x384xf32, #tpu.memory_space<hbm>> -> memref<64x128xf32, #tpu.memory_space<hbm>>
      %dma_start3A_203 = arith.constant 0 : i32
      %dma_start3A_204 = arith.constant 256 : i32
      %dma_start3A_205 = tpu.memref_slice %arg11[%dma_start3A_203, %dma_start3A_204] : memref<64x384xf32, #tpu.memory_space<vmem>> -> memref<64x128xf32, #tpu.memory_space<vmem>>
      tpu.enqueue_dma source(%dma_start3A_205 : memref<64x128xf32, #tpu.memory_space<vmem>>) target(%dma_start3A_202 : memref<64x128xf32, #tpu.memory_space<hbm>>) target_semaphore(%arg27 : memref<!tpu.dma_semaphore, #tpu.memory_space<semaphore_mem>>)
      %ge3A = arith.constant 2 : i32
      "tpu.trace_start"() <{level = 10 : i32, message = "drain_w"}> : () -> ()
      %ge3A_206 = arith.cmpi sge, %add3A_130, %ge3A : i32
      %convert_element_type3A = arith.extui %ge3A_206 : i1 to i32
      %cond3A = arith.constant 0 : i32
      %cond3A_207 = arith.cmpi ne, %convert_element_type3A, %cond3A : i32
      scf.if %cond3A_207 {
        %dma_wait3A_487 = arith.constant 0 : i32
        %dma_wait3A_488 = arith.constant 0 : i32
        %dma_wait3A_489 = tpu.memref_slice %arg13[%dma_wait3A_487, %dma_wait3A_488] : memref<64x384xf32, #tpu.memory_space<vmem>> -> memref<64x128xf32, #tpu.memory_space<vmem>>
        %dma_wait3A_490 = arith.constant 0 : i32
        %dma_wait3A_491 = arith.constant 0 : i32
        %dma_wait3A_492 = tpu.memref_slice %arg7[%dma_wait3A_490, %dma_wait3A_491] : memref<204800x384xf32, #tpu.memory_space<hbm>> -> memref<64x128xf32, #tpu.memory_space<hbm>>
        %dma_wait3A_493 = arith.constant 0 : i32
        %dma_wait3A_494 = arith.constant 0 : i32
        %dma_wait3A_495 = tpu.memref_slice %arg7[%dma_wait3A_493, %dma_wait3A_494] : memref<204800x384xf32, #tpu.memory_space<hbm>> -> memref<64x128xf32, #tpu.memory_space<hbm>>
        %dma_wait3A_496 = arith.constant 0 : i32
        %dma_wait3A_497 = arith.constant 0 : i32
        %dma_wait3A_498 = tpu.memref_slice %arg13[%dma_wait3A_496, %dma_wait3A_497] : memref<64x384xf32, #tpu.memory_space<vmem>> -> memref<64x128xf32, #tpu.memory_space<vmem>>
        tpu.wait_dma2 semaphore(%arg29 : memref<!tpu.dma_semaphore, #tpu.memory_space<semaphore_mem>>) src(%dma_wait3A_498 : memref<64x128xf32, #tpu.memory_space<vmem>>) dst(%dma_wait3A_495 : memref<64x128xf32, #tpu.memory_space<hbm>>)
        %dma_wait3A_499 = arith.constant 0 : i32
        %dma_wait3A_500 = arith.constant 128 : i32
        %dma_wait3A_501 = tpu.memref_slice %arg13[%dma_wait3A_499, %dma_wait3A_500] : memref<64x384xf32, #tpu.memory_space<vmem>> -> memref<64x128xf32, #tpu.memory_space<vmem>>
        %dma_wait3A_502 = arith.constant 0 : i32
        %dma_wait3A_503 = arith.constant 0 : i32
        %dma_wait3A_504 = tpu.memref_slice %arg7[%dma_wait3A_502, %dma_wait3A_503] : memref<204800x384xf32, #tpu.memory_space<hbm>> -> memref<64x128xf32, #tpu.memory_space<hbm>>
        %dma_wait3A_505 = arith.constant 0 : i32
        %dma_wait3A_506 = arith.constant 0 : i32
        %dma_wait3A_507 = tpu.memref_slice %arg7[%dma_wait3A_505, %dma_wait3A_506] : memref<204800x384xf32, #tpu.memory_space<hbm>> -> memref<64x128xf32, #tpu.memory_space<hbm>>
        %dma_wait3A_508 = arith.constant 0 : i32
        %dma_wait3A_509 = arith.constant 128 : i32
        %dma_wait3A_510 = tpu.memref_slice %arg13[%dma_wait3A_508, %dma_wait3A_509] : memref<64x384xf32, #tpu.memory_space<vmem>> -> memref<64x128xf32, #tpu.memory_space<vmem>>
        tpu.wait_dma2 semaphore(%arg29 : memref<!tpu.dma_semaphore, #tpu.memory_space<semaphore_mem>>) src(%dma_wait3A_510 : memref<64x128xf32, #tpu.memory_space<vmem>>) dst(%dma_wait3A_507 : memref<64x128xf32, #tpu.memory_space<hbm>>)
        %dma_wait3A_511 = arith.constant 0 : i32
        %dma_wait3A_512 = arith.constant 256 : i32
        %dma_wait3A_513 = tpu.memref_slice %arg13[%dma_wait3A_511, %dma_wait3A_512] : memref<64x384xf32, #tpu.memory_space<vmem>> -> memref<64x128xf32, #tpu.memory_space<vmem>>
        %dma_wait3A_514 = arith.constant 0 : i32
        %dma_wait3A_515 = arith.constant 0 : i32
        %dma_wait3A_516 = tpu.memref_slice %arg7[%dma_wait3A_514, %dma_wait3A_515] : memref<204800x384xf32, #tpu.memory_space<hbm>> -> memref<64x128xf32, #tpu.memory_space<hbm>>
        %dma_wait3A_517 = arith.constant 0 : i32
        %dma_wait3A_518 = arith.constant 0 : i32
        %dma_wait3A_519 = tpu.memref_slice %arg7[%dma_wait3A_517, %dma_wait3A_518] : memref<204800x384xf32, #tpu.memory_space<hbm>> -> memref<64x128xf32, #tpu.memory_space<hbm>>
        %dma_wait3A_520 = arith.constant 0 : i32
        %dma_wait3A_521 = arith.constant 256 : i32
        %dma_wait3A_522 = tpu.memref_slice %arg13[%dma_wait3A_520, %dma_wait3A_521] : memref<64x384xf32, #tpu.memory_space<vmem>> -> memref<64x128xf32, #tpu.memory_space<vmem>>
        tpu.wait_dma2 semaphore(%arg29 : memref<!tpu.dma_semaphore, #tpu.memory_space<semaphore_mem>>) src(%dma_wait3A_522 : memref<64x128xf32, #tpu.memory_space<vmem>>) dst(%dma_wait3A_519 : memref<64x128xf32, #tpu.memory_space<hbm>>)
      } else {
      }
      "tpu.trace_stop"() : () -> ()
      "tpu.trace_start"() <{level = 10 : i32, message = "next_g"}> : () -> ()
      %add3A_208 = arith.constant 2 : i32
      %add3A_209 = arith.addi %add3A_130, %add3A_208 : i32
      %lt3A = arith.constant 100 : i32
      %lt3A_210 = arith.cmpi slt, %add3A_209, %lt3A : i32
      %convert_element_type3A_211 = arith.extui %lt3A_210 : i1 to i32
      %cond3A_212 = arith.constant 0 : i32
      %cond3A_213 = arith.cmpi ne, %convert_element_type3A_211, %cond3A_212 : i32
      scf.if %cond3A_213 {
        %add3A_487 = arith.constant 2 : i32
        %add3A_488 = arith.addi %add3A_130, %add3A_487 : i32
        %mul3A_489 = arith.constant 64 : i32
        %mul3A_490 = arith.muli %add3A_488, %mul3A_489 : i32
        %dma_start3A_491 = arith.constant 0 : i32
        %dma_start3A_492 = arith.constant 0 : i32
        %dma_start3A_493 = tpu.memref_slice %arg13[%dma_start3A_491, %dma_start3A_492] : memref<64x384xf32, #tpu.memory_space<vmem>> -> memref<64x128xf32, #tpu.memory_space<vmem>>
        %dma_start3A_494 = tpu.memref_slice %arg8[%mul3A_490] : memref<6400xi32, #tpu.memory_space<vmem>> -> memref<64xi32, #tpu.memory_space<vmem>>
        %dma_start3A_495 = arith.constant 0 : i32
        %dma_start3A_496 = arith.constant 0 : i32
        %dma_start3A_497 = tpu.memref_slice %arg5[%dma_start3A_495, %dma_start3A_496] : memref<100000x128xf32, #tpu.memory_space<hbm>> -> memref<100000x128xf32, #tpu.memory_space<hbm>>
        tpu.enqueue_indirect_dma source(%dma_start3A_497 : memref<100000x128xf32, #tpu.memory_space<hbm>>) target(%dma_start3A_493 : memref<64x128xf32, #tpu.memory_space<vmem>>) offsets(%dma_start3A_494 : memref<64xi32, #tpu.memory_space<vmem>>) semaphore(%arg21 : memref<!tpu.dma_semaphore, #tpu.memory_space<semaphore_mem>>)
        %dma_start3A_498 = arith.constant 0 : i32
        %dma_start3A_499 = arith.constant 128 : i32
        %dma_start3A_500 = tpu.memref_slice %arg13[%dma_start3A_498, %dma_start3A_499] : memref<64x384xf32, #tpu.memory_space<vmem>> -> memref<64x128xf32, #tpu.memory_space<vmem>>
        %dma_start3A_501 = tpu.memref_slice %arg9[%mul3A_490] : memref<6400xi32, #tpu.memory_space<vmem>> -> memref<64xi32, #tpu.memory_space<vmem>>
        %dma_start3A_502 = arith.constant 0 : i32
        %dma_start3A_503 = arith.constant 0 : i32
        %dma_start3A_504 = tpu.memref_slice %arg6[%dma_start3A_502, %dma_start3A_503] : memref<100000x128xf32, #tpu.memory_space<hbm>> -> memref<100000x128xf32, #tpu.memory_space<hbm>>
        tpu.enqueue_indirect_dma source(%dma_start3A_504 : memref<100000x128xf32, #tpu.memory_space<hbm>>) target(%dma_start3A_500 : memref<64x128xf32, #tpu.memory_space<vmem>>) offsets(%dma_start3A_501 : memref<64xi32, #tpu.memory_space<vmem>>) semaphore(%arg22 : memref<!tpu.dma_semaphore, #tpu.memory_space<semaphore_mem>>)
        %dma_start3A_505 = arith.constant 0 : i32
        %dma_start3A_506 = arith.constant 256 : i32
        %dma_start3A_507 = tpu.memref_slice %arg13[%dma_start3A_505, %dma_start3A_506] : memref<64x384xf32, #tpu.memory_space<vmem>> -> memref<64x128xf32, #tpu.memory_space<vmem>>
        %dma_start3A_508 = tpu.memref_slice %arg10[%mul3A_490] : memref<6400xi32, #tpu.memory_space<vmem>> -> memref<64xi32, #tpu.memory_space<vmem>>
        %dma_start3A_509 = arith.constant 0 : i32
        %dma_start3A_510 = arith.constant 0 : i32
        %dma_start3A_511 = tpu.memref_slice %arg5[%dma_start3A_509, %dma_start3A_510] : memref<100000x128xf32, #tpu.memory_space<hbm>> -> memref<100000x128xf32, #tpu.memory_space<hbm>>
        tpu.enqueue_indirect_dma source(%dma_start3A_511 : memref<100000x128xf32, #tpu.memory_space<hbm>>) target(%dma_start3A_507 : memref<64x128xf32, #tpu.memory_space<vmem>>) offsets(%dma_start3A_508 : memref<64xi32, #tpu.memory_space<vmem>>) semaphore(%arg23 : memref<!tpu.dma_semaphore, #tpu.memory_space<semaphore_mem>>)
      } else {
      }
      "tpu.trace_stop"() : () -> ()
      %mul3A_214 = arith.constant 4 : i32
      %mul3A_215 = arith.muli %mul3A_214, %scan3A_126 : i32
      %add3A_216 = arith.constant 1 : i32
      %add3A_217 = arith.addi %mul3A_215, %add3A_216 : i32
      %dma_wait3A_218 = arith.constant 0 : i32
      %dma_wait3A_219 = arith.constant 0 : i32
      %dma_wait3A_220 = tpu.memref_slice %arg12[%dma_wait3A_218, %dma_wait3A_219] : memref<64x384xf32, #tpu.memory_space<vmem>> -> memref<64x128xf32, #tpu.memory_space<vmem>>
      %dma_wait3A_221 = arith.constant 0 : i32
      %dma_wait3A_222 = arith.constant 0 : i32
      %dma_wait3A_223 = tpu.memref_slice %arg7[%dma_wait3A_221, %dma_wait3A_222] : memref<204800x384xf32, #tpu.memory_space<hbm>> -> memref<64x128xf32, #tpu.memory_space<hbm>>
      %dma_wait3A_224 = arith.constant 0 : i32
      %dma_wait3A_225 = arith.constant 0 : i32
      %dma_wait3A_226 = tpu.memref_slice %arg12[%dma_wait3A_224, %dma_wait3A_225] : memref<64x384xf32, #tpu.memory_space<vmem>> -> memref<64x128xf32, #tpu.memory_space<vmem>>
      %dma_wait3A_227 = arith.constant 0 : i32
      %dma_wait3A_228 = arith.constant 0 : i32
      %dma_wait3A_229 = tpu.memref_slice %arg7[%dma_wait3A_227, %dma_wait3A_228] : memref<204800x384xf32, #tpu.memory_space<hbm>> -> memref<64x128xf32, #tpu.memory_space<hbm>>
      tpu.wait_dma2 semaphore(%arg18 : memref<!tpu.dma_semaphore, #tpu.memory_space<semaphore_mem>>) src(%dma_wait3A_229 : memref<64x128xf32, #tpu.memory_space<hbm>>) dst(%dma_wait3A_226 : memref<64x128xf32, #tpu.memory_space<vmem>>)
      %mul3A_230 = arith.constant 64 : i32
      %mul3A_231 = arith.muli %add3A_217, %mul3A_230 : i32
      %add3A_232 = arith.addi %mul3A_2, %mul3A_231 : i32
      %dma_start3A_233 = arith.constant 0 : i32
      %dma_start3A_234 = arith.constant 0 : i32
      %dma_start3A_235 = tpu.memref_slice %arg12[%dma_start3A_233, %dma_start3A_234] : memref<64x384xf32, #tpu.memory_space<vmem>> -> memref<64x128xf32, #tpu.memory_space<vmem>>
      %dma_start3A_236 = arith.constant 0 : i32
      %dma_start3A_237 = tpu.memref_slice %arg7[%add3A_232, %dma_start3A_236] : memref<204800x384xf32, #tpu.memory_space<hbm>> -> memref<64x128xf32, #tpu.memory_space<hbm>>
      %dma_start3A_238 = arith.constant 0 : i32
      %dma_start3A_239 = tpu.memref_slice %arg7[%add3A_232, %dma_start3A_238] : memref<204800x384xf32, #tpu.memory_space<hbm>> -> memref<64x128xf32, #tpu.memory_space<hbm>>
      %dma_start3A_240 = arith.constant 0 : i32
      %dma_start3A_241 = arith.constant 0 : i32
      %dma_start3A_242 = tpu.memref_slice %arg12[%dma_start3A_240, %dma_start3A_241] : memref<64x384xf32, #tpu.memory_space<vmem>> -> memref<64x128xf32, #tpu.memory_space<vmem>>
      tpu.enqueue_dma source(%dma_start3A_242 : memref<64x128xf32, #tpu.memory_space<vmem>>) target(%dma_start3A_239 : memref<64x128xf32, #tpu.memory_space<hbm>>) target_semaphore(%arg28 : memref<!tpu.dma_semaphore, #tpu.memory_space<semaphore_mem>>)
      %dma_wait3A_243 = arith.constant 0 : i32
      %dma_wait3A_244 = arith.constant 128 : i32
      %dma_wait3A_245 = tpu.memref_slice %arg12[%dma_wait3A_243, %dma_wait3A_244] : memref<64x384xf32, #tpu.memory_space<vmem>> -> memref<64x128xf32, #tpu.memory_space<vmem>>
      %dma_wait3A_246 = arith.constant 0 : i32
      %dma_wait3A_247 = arith.constant 0 : i32
      %dma_wait3A_248 = tpu.memref_slice %arg7[%dma_wait3A_246, %dma_wait3A_247] : memref<204800x384xf32, #tpu.memory_space<hbm>> -> memref<64x128xf32, #tpu.memory_space<hbm>>
      %dma_wait3A_249 = arith.constant 0 : i32
      %dma_wait3A_250 = arith.constant 128 : i32
      %dma_wait3A_251 = tpu.memref_slice %arg12[%dma_wait3A_249, %dma_wait3A_250] : memref<64x384xf32, #tpu.memory_space<vmem>> -> memref<64x128xf32, #tpu.memory_space<vmem>>
      %dma_wait3A_252 = arith.constant 0 : i32
      %dma_wait3A_253 = arith.constant 0 : i32
      %dma_wait3A_254 = tpu.memref_slice %arg7[%dma_wait3A_252, %dma_wait3A_253] : memref<204800x384xf32, #tpu.memory_space<hbm>> -> memref<64x128xf32, #tpu.memory_space<hbm>>
      tpu.wait_dma2 semaphore(%arg19 : memref<!tpu.dma_semaphore, #tpu.memory_space<semaphore_mem>>) src(%dma_wait3A_254 : memref<64x128xf32, #tpu.memory_space<hbm>>) dst(%dma_wait3A_251 : memref<64x128xf32, #tpu.memory_space<vmem>>)
      %mul3A_255 = arith.constant 64 : i32
      %mul3A_256 = arith.muli %add3A_217, %mul3A_255 : i32
      %add3A_257 = arith.addi %mul3A_2, %mul3A_256 : i32
      %dma_start3A_258 = arith.constant 0 : i32
      %dma_start3A_259 = arith.constant 128 : i32
      %dma_start3A_260 = tpu.memref_slice %arg12[%dma_start3A_258, %dma_start3A_259] : memref<64x384xf32, #tpu.memory_space<vmem>> -> memref<64x128xf32, #tpu.memory_space<vmem>>
      %dma_start3A_261 = arith.constant 128 : i32
      %dma_start3A_262 = tpu.memref_slice %arg7[%add3A_257, %dma_start3A_261] : memref<204800x384xf32, #tpu.memory_space<hbm>> -> memref<64x128xf32, #tpu.memory_space<hbm>>
      %dma_start3A_263 = arith.constant 128 : i32
      %dma_start3A_264 = tpu.memref_slice %arg7[%add3A_257, %dma_start3A_263] : memref<204800x384xf32, #tpu.memory_space<hbm>> -> memref<64x128xf32, #tpu.memory_space<hbm>>
      %dma_start3A_265 = arith.constant 0 : i32
      %dma_start3A_266 = arith.constant 128 : i32
      %dma_start3A_267 = tpu.memref_slice %arg12[%dma_start3A_265, %dma_start3A_266] : memref<64x384xf32, #tpu.memory_space<vmem>> -> memref<64x128xf32, #tpu.memory_space<vmem>>
      tpu.enqueue_dma source(%dma_start3A_267 : memref<64x128xf32, #tpu.memory_space<vmem>>) target(%dma_start3A_264 : memref<64x128xf32, #tpu.memory_space<hbm>>) target_semaphore(%arg28 : memref<!tpu.dma_semaphore, #tpu.memory_space<semaphore_mem>>)
      %dma_wait3A_268 = arith.constant 0 : i32
      %dma_wait3A_269 = arith.constant 256 : i32
      %dma_wait3A_270 = tpu.memref_slice %arg12[%dma_wait3A_268, %dma_wait3A_269] : memref<64x384xf32, #tpu.memory_space<vmem>> -> memref<64x128xf32, #tpu.memory_space<vmem>>
      %dma_wait3A_271 = arith.constant 0 : i32
      %dma_wait3A_272 = arith.constant 0 : i32
      %dma_wait3A_273 = tpu.memref_slice %arg7[%dma_wait3A_271, %dma_wait3A_272] : memref<204800x384xf32, #tpu.memory_space<hbm>> -> memref<64x128xf32, #tpu.memory_space<hbm>>
      %dma_wait3A_274 = arith.constant 0 : i32
      %dma_wait3A_275 = arith.constant 256 : i32
      %dma_wait3A_276 = tpu.memref_slice %arg12[%dma_wait3A_274, %dma_wait3A_275] : memref<64x384xf32, #tpu.memory_space<vmem>> -> memref<64x128xf32, #tpu.memory_space<vmem>>
      %dma_wait3A_277 = arith.constant 0 : i32
      %dma_wait3A_278 = arith.constant 0 : i32
      %dma_wait3A_279 = tpu.memref_slice %arg7[%dma_wait3A_277, %dma_wait3A_278] : memref<204800x384xf32, #tpu.memory_space<hbm>> -> memref<64x128xf32, #tpu.memory_space<hbm>>
      tpu.wait_dma2 semaphore(%arg20 : memref<!tpu.dma_semaphore, #tpu.memory_space<semaphore_mem>>) src(%dma_wait3A_279 : memref<64x128xf32, #tpu.memory_space<hbm>>) dst(%dma_wait3A_276 : memref<64x128xf32, #tpu.memory_space<vmem>>)
      %mul3A_280 = arith.constant 64 : i32
      %mul3A_281 = arith.muli %add3A_217, %mul3A_280 : i32
      %add3A_282 = arith.addi %mul3A_2, %mul3A_281 : i32
      %dma_start3A_283 = arith.constant 0 : i32
      %dma_start3A_284 = arith.constant 256 : i32
      %dma_start3A_285 = tpu.memref_slice %arg12[%dma_start3A_283, %dma_start3A_284] : memref<64x384xf32, #tpu.memory_space<vmem>> -> memref<64x128xf32, #tpu.memory_space<vmem>>
      %dma_start3A_286 = arith.constant 256 : i32
      %dma_start3A_287 = tpu.memref_slice %arg7[%add3A_282, %dma_start3A_286] : memref<204800x384xf32, #tpu.memory_space<hbm>> -> memref<64x128xf32, #tpu.memory_space<hbm>>
      %dma_start3A_288 = arith.constant 256 : i32
      %dma_start3A_289 = tpu.memref_slice %arg7[%add3A_282, %dma_start3A_288] : memref<204800x384xf32, #tpu.memory_space<hbm>> -> memref<64x128xf32, #tpu.memory_space<hbm>>
      %dma_start3A_290 = arith.constant 0 : i32
      %dma_start3A_291 = arith.constant 256 : i32
      %dma_start3A_292 = tpu.memref_slice %arg12[%dma_start3A_290, %dma_start3A_291] : memref<64x384xf32, #tpu.memory_space<vmem>> -> memref<64x128xf32, #tpu.memory_space<vmem>>
      tpu.enqueue_dma source(%dma_start3A_292 : memref<64x128xf32, #tpu.memory_space<vmem>>) target(%dma_start3A_289 : memref<64x128xf32, #tpu.memory_space<hbm>>) target_semaphore(%arg28 : memref<!tpu.dma_semaphore, #tpu.memory_space<semaphore_mem>>)
      %ge3A_293 = arith.constant 2 : i32
      "tpu.trace_start"() <{level = 10 : i32, message = "drain_w"}> : () -> ()
      %ge3A_294 = arith.cmpi sge, %add3A_217, %ge3A_293 : i32
      %convert_element_type3A_295 = arith.extui %ge3A_294 : i1 to i32
      %cond3A_296 = arith.constant 0 : i32
      %cond3A_297 = arith.cmpi ne, %convert_element_type3A_295, %cond3A_296 : i32
      scf.if %cond3A_297 {
        %dma_wait3A_487 = arith.constant 0 : i32
        %dma_wait3A_488 = arith.constant 0 : i32
        %dma_wait3A_489 = tpu.memref_slice %arg14[%dma_wait3A_487, %dma_wait3A_488] : memref<64x384xf32, #tpu.memory_space<vmem>> -> memref<64x128xf32, #tpu.memory_space<vmem>>
        %dma_wait3A_490 = arith.constant 0 : i32
        %dma_wait3A_491 = arith.constant 0 : i32
        %dma_wait3A_492 = tpu.memref_slice %arg7[%dma_wait3A_490, %dma_wait3A_491] : memref<204800x384xf32, #tpu.memory_space<hbm>> -> memref<64x128xf32, #tpu.memory_space<hbm>>
        %dma_wait3A_493 = arith.constant 0 : i32
        %dma_wait3A_494 = arith.constant 0 : i32
        %dma_wait3A_495 = tpu.memref_slice %arg7[%dma_wait3A_493, %dma_wait3A_494] : memref<204800x384xf32, #tpu.memory_space<hbm>> -> memref<64x128xf32, #tpu.memory_space<hbm>>
        %dma_wait3A_496 = arith.constant 0 : i32
        %dma_wait3A_497 = arith.constant 0 : i32
        %dma_wait3A_498 = tpu.memref_slice %arg14[%dma_wait3A_496, %dma_wait3A_497] : memref<64x384xf32, #tpu.memory_space<vmem>> -> memref<64x128xf32, #tpu.memory_space<vmem>>
        tpu.wait_dma2 semaphore(%arg30 : memref<!tpu.dma_semaphore, #tpu.memory_space<semaphore_mem>>) src(%dma_wait3A_498 : memref<64x128xf32, #tpu.memory_space<vmem>>) dst(%dma_wait3A_495 : memref<64x128xf32, #tpu.memory_space<hbm>>)
        %dma_wait3A_499 = arith.constant 0 : i32
        %dma_wait3A_500 = arith.constant 128 : i32
        %dma_wait3A_501 = tpu.memref_slice %arg14[%dma_wait3A_499, %dma_wait3A_500] : memref<64x384xf32, #tpu.memory_space<vmem>> -> memref<64x128xf32, #tpu.memory_space<vmem>>
        %dma_wait3A_502 = arith.constant 0 : i32
        %dma_wait3A_503 = arith.constant 0 : i32
        %dma_wait3A_504 = tpu.memref_slice %arg7[%dma_wait3A_502, %dma_wait3A_503] : memref<204800x384xf32, #tpu.memory_space<hbm>> -> memref<64x128xf32, #tpu.memory_space<hbm>>
        %dma_wait3A_505 = arith.constant 0 : i32
        %dma_wait3A_506 = arith.constant 0 : i32
        %dma_wait3A_507 = tpu.memref_slice %arg7[%dma_wait3A_505, %dma_wait3A_506] : memref<204800x384xf32, #tpu.memory_space<hbm>> -> memref<64x128xf32, #tpu.memory_space<hbm>>
        %dma_wait3A_508 = arith.constant 0 : i32
        %dma_wait3A_509 = arith.constant 128 : i32
        %dma_wait3A_510 = tpu.memref_slice %arg14[%dma_wait3A_508, %dma_wait3A_509] : memref<64x384xf32, #tpu.memory_space<vmem>> -> memref<64x128xf32, #tpu.memory_space<vmem>>
        tpu.wait_dma2 semaphore(%arg30 : memref<!tpu.dma_semaphore, #tpu.memory_space<semaphore_mem>>) src(%dma_wait3A_510 : memref<64x128xf32, #tpu.memory_space<vmem>>) dst(%dma_wait3A_507 : memref<64x128xf32, #tpu.memory_space<hbm>>)
        %dma_wait3A_511 = arith.constant 0 : i32
        %dma_wait3A_512 = arith.constant 256 : i32
        %dma_wait3A_513 = tpu.memref_slice %arg14[%dma_wait3A_511, %dma_wait3A_512] : memref<64x384xf32, #tpu.memory_space<vmem>> -> memref<64x128xf32, #tpu.memory_space<vmem>>
        %dma_wait3A_514 = arith.constant 0 : i32
        %dma_wait3A_515 = arith.constant 0 : i32
        %dma_wait3A_516 = tpu.memref_slice %arg7[%dma_wait3A_514, %dma_wait3A_515] : memref<204800x384xf32, #tpu.memory_space<hbm>> -> memref<64x128xf32, #tpu.memory_space<hbm>>
        %dma_wait3A_517 = arith.constant 0 : i32
        %dma_wait3A_518 = arith.constant 0 : i32
        %dma_wait3A_519 = tpu.memref_slice %arg7[%dma_wait3A_517, %dma_wait3A_518] : memref<204800x384xf32, #tpu.memory_space<hbm>> -> memref<64x128xf32, #tpu.memory_space<hbm>>
        %dma_wait3A_520 = arith.constant 0 : i32
        %dma_wait3A_521 = arith.constant 256 : i32
        %dma_wait3A_522 = tpu.memref_slice %arg14[%dma_wait3A_520, %dma_wait3A_521] : memref<64x384xf32, #tpu.memory_space<vmem>> -> memref<64x128xf32, #tpu.memory_space<vmem>>
        tpu.wait_dma2 semaphore(%arg30 : memref<!tpu.dma_semaphore, #tpu.memory_space<semaphore_mem>>) src(%dma_wait3A_522 : memref<64x128xf32, #tpu.memory_space<vmem>>) dst(%dma_wait3A_519 : memref<64x128xf32, #tpu.memory_space<hbm>>)
      } else {
      }
      "tpu.trace_stop"() : () -> ()
      "tpu.trace_start"() <{level = 10 : i32, message = "next_g"}> : () -> ()
      %add3A_298 = arith.constant 2 : i32
      %add3A_299 = arith.addi %add3A_217, %add3A_298 : i32
      %lt3A_300 = arith.constant 100 : i32
      %lt3A_301 = arith.cmpi slt, %add3A_299, %lt3A_300 : i32
      %convert_element_type3A_302 = arith.extui %lt3A_301 : i1 to i32
      %cond3A_303 = arith.constant 0 : i32
      %cond3A_304 = arith.cmpi ne, %convert_element_type3A_302, %cond3A_303 : i32
      scf.if %cond3A_304 {
        %add3A_487 = arith.constant 2 : i32
        %add3A_488 = arith.addi %add3A_217, %add3A_487 : i32
        %mul3A_489 = arith.constant 64 : i32
        %mul3A_490 = arith.muli %add3A_488, %mul3A_489 : i32
        %dma_start3A_491 = arith.constant 0 : i32
        %dma_start3A_492 = arith.constant 0 : i32
        %dma_start3A_493 = tpu.memref_slice %arg14[%dma_start3A_491, %dma_start3A_492] : memref<64x384xf32, #tpu.memory_space<vmem>> -> memref<64x128xf32, #tpu.memory_space<vmem>>
        %dma_start3A_494 = tpu.memref_slice %arg8[%mul3A_490] : memref<6400xi32, #tpu.memory_space<vmem>> -> memref<64xi32, #tpu.memory_space<vmem>>
        %dma_start3A_495 = arith.constant 0 : i32
        %dma_start3A_496 = arith.constant 0 : i32
        %dma_start3A_497 = tpu.memref_slice %arg5[%dma_start3A_495, %dma_start3A_496] : memref<100000x128xf32, #tpu.memory_space<hbm>> -> memref<100000x128xf32, #tpu.memory_space<hbm>>
        tpu.enqueue_indirect_dma source(%dma_start3A_497 : memref<100000x128xf32, #tpu.memory_space<hbm>>) target(%dma_start3A_493 : memref<64x128xf32, #tpu.memory_space<vmem>>) offsets(%dma_start3A_494 : memref<64xi32, #tpu.memory_space<vmem>>) semaphore(%arg24 : memref<!tpu.dma_semaphore, #tpu.memory_space<semaphore_mem>>)
        %dma_start3A_498 = arith.constant 0 : i32
        %dma_start3A_499 = arith.constant 128 : i32
        %dma_start3A_500 = tpu.memref_slice %arg14[%dma_start3A_498, %dma_start3A_499] : memref<64x384xf32, #tpu.memory_space<vmem>> -> memref<64x128xf32, #tpu.memory_space<vmem>>
        %dma_start3A_501 = tpu.memref_slice %arg9[%mul3A_490] : memref<6400xi32, #tpu.memory_space<vmem>> -> memref<64xi32, #tpu.memory_space<vmem>>
        %dma_start3A_502 = arith.constant 0 : i32
        %dma_start3A_503 = arith.constant 0 : i32
        %dma_start3A_504 = tpu.memref_slice %arg6[%dma_start3A_502, %dma_start3A_503] : memref<100000x128xf32, #tpu.memory_space<hbm>> -> memref<100000x128xf32, #tpu.memory_space<hbm>>
        tpu.enqueue_indirect_dma source(%dma_start3A_504 : memref<100000x128xf32, #tpu.memory_space<hbm>>) target(%dma_start3A_500 : memref<64x128xf32, #tpu.memory_space<vmem>>) offsets(%dma_start3A_501 : memref<64xi32, #tpu.memory_space<vmem>>) semaphore(%arg25 : memref<!tpu.dma_semaphore, #tpu.memory_space<semaphore_mem>>)
        %dma_start3A_505 = arith.constant 0 : i32
        %dma_start3A_506 = arith.constant 256 : i32
        %dma_start3A_507 = tpu.memref_slice %arg14[%dma_start3A_505, %dma_start3A_506] : memref<64x384xf32, #tpu.memory_space<vmem>> -> memref<64x128xf32, #tpu.memory_space<vmem>>
        %dma_start3A_508 = tpu.memref_slice %arg10[%mul3A_490] : memref<6400xi32, #tpu.memory_space<vmem>> -> memref<64xi32, #tpu.memory_space<vmem>>
        %dma_start3A_509 = arith.constant 0 : i32
        %dma_start3A_510 = arith.constant 0 : i32
        %dma_start3A_511 = tpu.memref_slice %arg5[%dma_start3A_509, %dma_start3A_510] : memref<100000x128xf32, #tpu.memory_space<hbm>> -> memref<100000x128xf32, #tpu.memory_space<hbm>>
        tpu.enqueue_indirect_dma source(%dma_start3A_511 : memref<100000x128xf32, #tpu.memory_space<hbm>>) target(%dma_start3A_507 : memref<64x128xf32, #tpu.memory_space<vmem>>) offsets(%dma_start3A_508 : memref<64xi32, #tpu.memory_space<vmem>>) semaphore(%arg26 : memref<!tpu.dma_semaphore, #tpu.memory_space<semaphore_mem>>)
      } else {
      }
      "tpu.trace_stop"() : () -> ()
      %mul3A_305 = arith.constant 4 : i32
      %mul3A_306 = arith.muli %mul3A_305, %scan3A_126 : i32
      %add3A_307 = arith.constant 2 : i32
      %add3A_308 = arith.addi %mul3A_306, %add3A_307 : i32
      %dma_wait3A_309 = arith.constant 0 : i32
      %dma_wait3A_310 = arith.constant 0 : i32
      %dma_wait3A_311 = tpu.memref_slice %arg13[%dma_wait3A_309, %dma_wait3A_310] : memref<64x384xf32, #tpu.memory_space<vmem>> -> memref<64x128xf32, #tpu.memory_space<vmem>>
      %dma_wait3A_312 = arith.constant 0 : i32
      %dma_wait3A_313 = arith.constant 0 : i32
      %dma_wait3A_314 = tpu.memref_slice %arg7[%dma_wait3A_312, %dma_wait3A_313] : memref<204800x384xf32, #tpu.memory_space<hbm>> -> memref<64x128xf32, #tpu.memory_space<hbm>>
      %dma_wait3A_315 = arith.constant 0 : i32
      %dma_wait3A_316 = arith.constant 0 : i32
      %dma_wait3A_317 = tpu.memref_slice %arg13[%dma_wait3A_315, %dma_wait3A_316] : memref<64x384xf32, #tpu.memory_space<vmem>> -> memref<64x128xf32, #tpu.memory_space<vmem>>
      %dma_wait3A_318 = arith.constant 0 : i32
      %dma_wait3A_319 = arith.constant 0 : i32
      %dma_wait3A_320 = tpu.memref_slice %arg7[%dma_wait3A_318, %dma_wait3A_319] : memref<204800x384xf32, #tpu.memory_space<hbm>> -> memref<64x128xf32, #tpu.memory_space<hbm>>
      tpu.wait_dma2 semaphore(%arg21 : memref<!tpu.dma_semaphore, #tpu.memory_space<semaphore_mem>>) src(%dma_wait3A_320 : memref<64x128xf32, #tpu.memory_space<hbm>>) dst(%dma_wait3A_317 : memref<64x128xf32, #tpu.memory_space<vmem>>)
      %mul3A_321 = arith.constant 64 : i32
      %mul3A_322 = arith.muli %add3A_308, %mul3A_321 : i32
      %add3A_323 = arith.addi %mul3A_2, %mul3A_322 : i32
      %dma_start3A_324 = arith.constant 0 : i32
      %dma_start3A_325 = arith.constant 0 : i32
      %dma_start3A_326 = tpu.memref_slice %arg13[%dma_start3A_324, %dma_start3A_325] : memref<64x384xf32, #tpu.memory_space<vmem>> -> memref<64x128xf32, #tpu.memory_space<vmem>>
      %dma_start3A_327 = arith.constant 0 : i32
      %dma_start3A_328 = tpu.memref_slice %arg7[%add3A_323, %dma_start3A_327] : memref<204800x384xf32, #tpu.memory_space<hbm>> -> memref<64x128xf32, #tpu.memory_space<hbm>>
      %dma_start3A_329 = arith.constant 0 : i32
      %dma_start3A_330 = tpu.memref_slice %arg7[%add3A_323, %dma_start3A_329] : memref<204800x384xf32, #tpu.memory_space<hbm>> -> memref<64x128xf32, #tpu.memory_space<hbm>>
      %dma_start3A_331 = arith.constant 0 : i32
      %dma_start3A_332 = arith.constant 0 : i32
      %dma_start3A_333 = tpu.memref_slice %arg13[%dma_start3A_331, %dma_start3A_332] : memref<64x384xf32, #tpu.memory_space<vmem>> -> memref<64x128xf32, #tpu.memory_space<vmem>>
      tpu.enqueue_dma source(%dma_start3A_333 : memref<64x128xf32, #tpu.memory_space<vmem>>) target(%dma_start3A_330 : memref<64x128xf32, #tpu.memory_space<hbm>>) target_semaphore(%arg29 : memref<!tpu.dma_semaphore, #tpu.memory_space<semaphore_mem>>)
      %dma_wait3A_334 = arith.constant 0 : i32
      %dma_wait3A_335 = arith.constant 128 : i32
      %dma_wait3A_336 = tpu.memref_slice %arg13[%dma_wait3A_334, %dma_wait3A_335] : memref<64x384xf32, #tpu.memory_space<vmem>> -> memref<64x128xf32, #tpu.memory_space<vmem>>
      %dma_wait3A_337 = arith.constant 0 : i32
      %dma_wait3A_338 = arith.constant 0 : i32
      %dma_wait3A_339 = tpu.memref_slice %arg7[%dma_wait3A_337, %dma_wait3A_338] : memref<204800x384xf32, #tpu.memory_space<hbm>> -> memref<64x128xf32, #tpu.memory_space<hbm>>
      %dma_wait3A_340 = arith.constant 0 : i32
      %dma_wait3A_341 = arith.constant 128 : i32
      %dma_wait3A_342 = tpu.memref_slice %arg13[%dma_wait3A_340, %dma_wait3A_341] : memref<64x384xf32, #tpu.memory_space<vmem>> -> memref<64x128xf32, #tpu.memory_space<vmem>>
      %dma_wait3A_343 = arith.constant 0 : i32
      %dma_wait3A_344 = arith.constant 0 : i32
      %dma_wait3A_345 = tpu.memref_slice %arg7[%dma_wait3A_343, %dma_wait3A_344] : memref<204800x384xf32, #tpu.memory_space<hbm>> -> memref<64x128xf32, #tpu.memory_space<hbm>>
      tpu.wait_dma2 semaphore(%arg22 : memref<!tpu.dma_semaphore, #tpu.memory_space<semaphore_mem>>) src(%dma_wait3A_345 : memref<64x128xf32, #tpu.memory_space<hbm>>) dst(%dma_wait3A_342 : memref<64x128xf32, #tpu.memory_space<vmem>>)
      %mul3A_346 = arith.constant 64 : i32
      %mul3A_347 = arith.muli %add3A_308, %mul3A_346 : i32
      %add3A_348 = arith.addi %mul3A_2, %mul3A_347 : i32
      %dma_start3A_349 = arith.constant 0 : i32
      %dma_start3A_350 = arith.constant 128 : i32
      %dma_start3A_351 = tpu.memref_slice %arg13[%dma_start3A_349, %dma_start3A_350] : memref<64x384xf32, #tpu.memory_space<vmem>> -> memref<64x128xf32, #tpu.memory_space<vmem>>
      %dma_start3A_352 = arith.constant 128 : i32
      %dma_start3A_353 = tpu.memref_slice %arg7[%add3A_348, %dma_start3A_352] : memref<204800x384xf32, #tpu.memory_space<hbm>> -> memref<64x128xf32, #tpu.memory_space<hbm>>
      %dma_start3A_354 = arith.constant 128 : i32
      %dma_start3A_355 = tpu.memref_slice %arg7[%add3A_348, %dma_start3A_354] : memref<204800x384xf32, #tpu.memory_space<hbm>> -> memref<64x128xf32, #tpu.memory_space<hbm>>
      %dma_start3A_356 = arith.constant 0 : i32
      %dma_start3A_357 = arith.constant 128 : i32
      %dma_start3A_358 = tpu.memref_slice %arg13[%dma_start3A_356, %dma_start3A_357] : memref<64x384xf32, #tpu.memory_space<vmem>> -> memref<64x128xf32, #tpu.memory_space<vmem>>
      tpu.enqueue_dma source(%dma_start3A_358 : memref<64x128xf32, #tpu.memory_space<vmem>>) target(%dma_start3A_355 : memref<64x128xf32, #tpu.memory_space<hbm>>) target_semaphore(%arg29 : memref<!tpu.dma_semaphore, #tpu.memory_space<semaphore_mem>>)
      %dma_wait3A_359 = arith.constant 0 : i32
      %dma_wait3A_360 = arith.constant 256 : i32
      %dma_wait3A_361 = tpu.memref_slice %arg13[%dma_wait3A_359, %dma_wait3A_360] : memref<64x384xf32, #tpu.memory_space<vmem>> -> memref<64x128xf32, #tpu.memory_space<vmem>>
      %dma_wait3A_362 = arith.constant 0 : i32
      %dma_wait3A_363 = arith.constant 0 : i32
      %dma_wait3A_364 = tpu.memref_slice %arg7[%dma_wait3A_362, %dma_wait3A_363] : memref<204800x384xf32, #tpu.memory_space<hbm>> -> memref<64x128xf32, #tpu.memory_space<hbm>>
      %dma_wait3A_365 = arith.constant 0 : i32
      %dma_wait3A_366 = arith.constant 256 : i32
      %dma_wait3A_367 = tpu.memref_slice %arg13[%dma_wait3A_365, %dma_wait3A_366] : memref<64x384xf32, #tpu.memory_space<vmem>> -> memref<64x128xf32, #tpu.memory_space<vmem>>
      %dma_wait3A_368 = arith.constant 0 : i32
      %dma_wait3A_369 = arith.constant 0 : i32
      %dma_wait3A_370 = tpu.memref_slice %arg7[%dma_wait3A_368, %dma_wait3A_369] : memref<204800x384xf32, #tpu.memory_space<hbm>> -> memref<64x128xf32, #tpu.memory_space<hbm>>
      tpu.wait_dma2 semaphore(%arg23 : memref<!tpu.dma_semaphore, #tpu.memory_space<semaphore_mem>>) src(%dma_wait3A_370 : memref<64x128xf32, #tpu.memory_space<hbm>>) dst(%dma_wait3A_367 : memref<64x128xf32, #tpu.memory_space<vmem>>)
      %mul3A_371 = arith.constant 64 : i32
      %mul3A_372 = arith.muli %add3A_308, %mul3A_371 : i32
      %add3A_373 = arith.addi %mul3A_2, %mul3A_372 : i32
      %dma_start3A_374 = arith.constant 0 : i32
      %dma_start3A_375 = arith.constant 256 : i32
      %dma_start3A_376 = tpu.memref_slice %arg13[%dma_start3A_374, %dma_start3A_375] : memref<64x384xf32, #tpu.memory_space<vmem>> -> memref<64x128xf32, #tpu.memory_space<vmem>>
      %dma_start3A_377 = arith.constant 256 : i32
      %dma_start3A_378 = tpu.memref_slice %arg7[%add3A_373, %dma_start3A_377] : memref<204800x384xf32, #tpu.memory_space<hbm>> -> memref<64x128xf32, #tpu.memory_space<hbm>>
      %dma_start3A_379 = arith.constant 256 : i32
      %dma_start3A_380 = tpu.memref_slice %arg7[%add3A_373, %dma_start3A_379] : memref<204800x384xf32, #tpu.memory_space<hbm>> -> memref<64x128xf32, #tpu.memory_space<hbm>>
      %dma_start3A_381 = arith.constant 0 : i32
      %dma_start3A_382 = arith.constant 256 : i32
      %dma_start3A_383 = tpu.memref_slice %arg13[%dma_start3A_381, %dma_start3A_382] : memref<64x384xf32, #tpu.memory_space<vmem>> -> memref<64x128xf32, #tpu.memory_space<vmem>>
      tpu.enqueue_dma source(%dma_start3A_383 : memref<64x128xf32, #tpu.memory_space<vmem>>) target(%dma_start3A_380 : memref<64x128xf32, #tpu.memory_space<hbm>>) target_semaphore(%arg29 : memref<!tpu.dma_semaphore, #tpu.memory_space<semaphore_mem>>)
      %ge3A_384 = arith.constant 2 : i32
      "tpu.trace_start"() <{level = 10 : i32, message = "drain_w"}> : () -> ()
      %ge3A_385 = arith.cmpi sge, %add3A_308, %ge3A_384 : i32
      %convert_element_type3A_386 = arith.extui %ge3A_385 : i1 to i32
      %cond3A_387 = arith.constant 0 : i32
      %cond3A_388 = arith.cmpi ne, %convert_element_type3A_386, %cond3A_387 : i32
      scf.if %cond3A_388 {
        %dma_wait3A_487 = arith.constant 0 : i32
        %dma_wait3A_488 = arith.constant 0 : i32
        %dma_wait3A_489 = tpu.memref_slice %arg11[%dma_wait3A_487, %dma_wait3A_488] : memref<64x384xf32, #tpu.memory_space<vmem>> -> memref<64x128xf32, #tpu.memory_space<vmem>>
        %dma_wait3A_490 = arith.constant 0 : i32
        %dma_wait3A_491 = arith.constant 0 : i32
        %dma_wait3A_492 = tpu.memref_slice %arg7[%dma_wait3A_490, %dma_wait3A_491] : memref<204800x384xf32, #tpu.memory_space<hbm>> -> memref<64x128xf32, #tpu.memory_space<hbm>>
        %dma_wait3A_493 = arith.constant 0 : i32
        %dma_wait3A_494 = arith.constant 0 : i32
        %dma_wait3A_495 = tpu.memref_slice %arg7[%dma_wait3A_493, %dma_wait3A_494] : memref<204800x384xf32, #tpu.memory_space<hbm>> -> memref<64x128xf32, #tpu.memory_space<hbm>>
        %dma_wait3A_496 = arith.constant 0 : i32
        %dma_wait3A_497 = arith.constant 0 : i32
        %dma_wait3A_498 = tpu.memref_slice %arg11[%dma_wait3A_496, %dma_wait3A_497] : memref<64x384xf32, #tpu.memory_space<vmem>> -> memref<64x128xf32, #tpu.memory_space<vmem>>
        tpu.wait_dma2 semaphore(%arg27 : memref<!tpu.dma_semaphore, #tpu.memory_space<semaphore_mem>>) src(%dma_wait3A_498 : memref<64x128xf32, #tpu.memory_space<vmem>>) dst(%dma_wait3A_495 : memref<64x128xf32, #tpu.memory_space<hbm>>)
        %dma_wait3A_499 = arith.constant 0 : i32
        %dma_wait3A_500 = arith.constant 128 : i32
        %dma_wait3A_501 = tpu.memref_slice %arg11[%dma_wait3A_499, %dma_wait3A_500] : memref<64x384xf32, #tpu.memory_space<vmem>> -> memref<64x128xf32, #tpu.memory_space<vmem>>
        %dma_wait3A_502 = arith.constant 0 : i32
        %dma_wait3A_503 = arith.constant 0 : i32
        %dma_wait3A_504 = tpu.memref_slice %arg7[%dma_wait3A_502, %dma_wait3A_503] : memref<204800x384xf32, #tpu.memory_space<hbm>> -> memref<64x128xf32, #tpu.memory_space<hbm>>
        %dma_wait3A_505 = arith.constant 0 : i32
        %dma_wait3A_506 = arith.constant 0 : i32
        %dma_wait3A_507 = tpu.memref_slice %arg7[%dma_wait3A_505, %dma_wait3A_506] : memref<204800x384xf32, #tpu.memory_space<hbm>> -> memref<64x128xf32, #tpu.memory_space<hbm>>
        %dma_wait3A_508 = arith.constant 0 : i32
        %dma_wait3A_509 = arith.constant 128 : i32
        %dma_wait3A_510 = tpu.memref_slice %arg11[%dma_wait3A_508, %dma_wait3A_509] : memref<64x384xf32, #tpu.memory_space<vmem>> -> memref<64x128xf32, #tpu.memory_space<vmem>>
        tpu.wait_dma2 semaphore(%arg27 : memref<!tpu.dma_semaphore, #tpu.memory_space<semaphore_mem>>) src(%dma_wait3A_510 : memref<64x128xf32, #tpu.memory_space<vmem>>) dst(%dma_wait3A_507 : memref<64x128xf32, #tpu.memory_space<hbm>>)
        %dma_wait3A_511 = arith.constant 0 : i32
        %dma_wait3A_512 = arith.constant 256 : i32
        %dma_wait3A_513 = tpu.memref_slice %arg11[%dma_wait3A_511, %dma_wait3A_512] : memref<64x384xf32, #tpu.memory_space<vmem>> -> memref<64x128xf32, #tpu.memory_space<vmem>>
        %dma_wait3A_514 = arith.constant 0 : i32
        %dma_wait3A_515 = arith.constant 0 : i32
        %dma_wait3A_516 = tpu.memref_slice %arg7[%dma_wait3A_514, %dma_wait3A_515] : memref<204800x384xf32, #tpu.memory_space<hbm>> -> memref<64x128xf32, #tpu.memory_space<hbm>>
        %dma_wait3A_517 = arith.constant 0 : i32
        %dma_wait3A_518 = arith.constant 0 : i32
        %dma_wait3A_519 = tpu.memref_slice %arg7[%dma_wait3A_517, %dma_wait3A_518] : memref<204800x384xf32, #tpu.memory_space<hbm>> -> memref<64x128xf32, #tpu.memory_space<hbm>>
        %dma_wait3A_520 = arith.constant 0 : i32
        %dma_wait3A_521 = arith.constant 256 : i32
        %dma_wait3A_522 = tpu.memref_slice %arg11[%dma_wait3A_520, %dma_wait3A_521] : memref<64x384xf32, #tpu.memory_space<vmem>> -> memref<64x128xf32, #tpu.memory_space<vmem>>
        tpu.wait_dma2 semaphore(%arg27 : memref<!tpu.dma_semaphore, #tpu.memory_space<semaphore_mem>>) src(%dma_wait3A_522 : memref<64x128xf32, #tpu.memory_space<vmem>>) dst(%dma_wait3A_519 : memref<64x128xf32, #tpu.memory_space<hbm>>)
      } else {
      }
      "tpu.trace_stop"() : () -> ()
      "tpu.trace_start"() <{level = 10 : i32, message = "next_g"}> : () -> ()
      %add3A_389 = arith.constant 2 : i32
      %add3A_390 = arith.addi %add3A_308, %add3A_389 : i32
      %lt3A_391 = arith.constant 100 : i32
      %lt3A_392 = arith.cmpi slt, %add3A_390, %lt3A_391 : i32
      %convert_element_type3A_393 = arith.extui %lt3A_392 : i1 to i32
      %cond3A_394 = arith.constant 0 : i32
      %cond3A_395 = arith.cmpi ne, %convert_element_type3A_393, %cond3A_394 : i32
      scf.if %cond3A_395 {
        %add3A_487 = arith.constant 2 : i32
        %add3A_488 = arith.addi %add3A_308, %add3A_487 : i32
        %mul3A_489 = arith.constant 64 : i32
        %mul3A_490 = arith.muli %add3A_488, %mul3A_489 : i32
        %dma_start3A_491 = arith.constant 0 : i32
        %dma_start3A_492 = arith.constant 0 : i32
        %dma_start3A_493 = tpu.memref_slice %arg11[%dma_start3A_491, %dma_start3A_492] : memref<64x384xf32, #tpu.memory_space<vmem>> -> memref<64x128xf32, #tpu.memory_space<vmem>>
        %dma_start3A_494 = tpu.memref_slice %arg8[%mul3A_490] : memref<6400xi32, #tpu.memory_space<vmem>> -> memref<64xi32, #tpu.memory_space<vmem>>
        %dma_start3A_495 = arith.constant 0 : i32
        %dma_start3A_496 = arith.constant 0 : i32
        %dma_start3A_497 = tpu.memref_slice %arg5[%dma_start3A_495, %dma_start3A_496] : memref<100000x128xf32, #tpu.memory_space<hbm>> -> memref<100000x128xf32, #tpu.memory_space<hbm>>
        tpu.enqueue_indirect_dma source(%dma_start3A_497 : memref<100000x128xf32, #tpu.memory_space<hbm>>) target(%dma_start3A_493 : memref<64x128xf32, #tpu.memory_space<vmem>>) offsets(%dma_start3A_494 : memref<64xi32, #tpu.memory_space<vmem>>) semaphore(%arg15 : memref<!tpu.dma_semaphore, #tpu.memory_space<semaphore_mem>>)
        %dma_start3A_498 = arith.constant 0 : i32
        %dma_start3A_499 = arith.constant 128 : i32
        %dma_start3A_500 = tpu.memref_slice %arg11[%dma_start3A_498, %dma_start3A_499] : memref<64x384xf32, #tpu.memory_space<vmem>> -> memref<64x128xf32, #tpu.memory_space<vmem>>
        %dma_start3A_501 = tpu.memref_slice %arg9[%mul3A_490] : memref<6400xi32, #tpu.memory_space<vmem>> -> memref<64xi32, #tpu.memory_space<vmem>>
        %dma_start3A_502 = arith.constant 0 : i32
        %dma_start3A_503 = arith.constant 0 : i32
        %dma_start3A_504 = tpu.memref_slice %arg6[%dma_start3A_502, %dma_start3A_503] : memref<100000x128xf32, #tpu.memory_space<hbm>> -> memref<100000x128xf32, #tpu.memory_space<hbm>>
        tpu.enqueue_indirect_dma source(%dma_start3A_504 : memref<100000x128xf32, #tpu.memory_space<hbm>>) target(%dma_start3A_500 : memref<64x128xf32, #tpu.memory_space<vmem>>) offsets(%dma_start3A_501 : memref<64xi32, #tpu.memory_space<vmem>>) semaphore(%arg16 : memref<!tpu.dma_semaphore, #tpu.memory_space<semaphore_mem>>)
        %dma_start3A_505 = arith.constant 0 : i32
        %dma_start3A_506 = arith.constant 256 : i32
        %dma_start3A_507 = tpu.memref_slice %arg11[%dma_start3A_505, %dma_start3A_506] : memref<64x384xf32, #tpu.memory_space<vmem>> -> memref<64x128xf32, #tpu.memory_space<vmem>>
        %dma_start3A_508 = tpu.memref_slice %arg10[%mul3A_490] : memref<6400xi32, #tpu.memory_space<vmem>> -> memref<64xi32, #tpu.memory_space<vmem>>
        %dma_start3A_509 = arith.constant 0 : i32
        %dma_start3A_510 = arith.constant 0 : i32
        %dma_start3A_511 = tpu.memref_slice %arg5[%dma_start3A_509, %dma_start3A_510] : memref<100000x128xf32, #tpu.memory_space<hbm>> -> memref<100000x128xf32, #tpu.memory_space<hbm>>
        tpu.enqueue_indirect_dma source(%dma_start3A_511 : memref<100000x128xf32, #tpu.memory_space<hbm>>) target(%dma_start3A_507 : memref<64x128xf32, #tpu.memory_space<vmem>>) offsets(%dma_start3A_508 : memref<64xi32, #tpu.memory_space<vmem>>) semaphore(%arg17 : memref<!tpu.dma_semaphore, #tpu.memory_space<semaphore_mem>>)
      } else {
      }
      "tpu.trace_stop"() : () -> ()
      %mul3A_396 = arith.constant 4 : i32
      %mul3A_397 = arith.muli %mul3A_396, %scan3A_126 : i32
      %add3A_398 = arith.constant 3 : i32
      %add3A_399 = arith.addi %mul3A_397, %add3A_398 : i32
      %dma_wait3A_400 = arith.constant 0 : i32
      %dma_wait3A_401 = arith.constant 0 : i32
      %dma_wait3A_402 = tpu.memref_slice %arg14[%dma_wait3A_400, %dma_wait3A_401] : memref<64x384xf32, #tpu.memory_space<vmem>> -> memref<64x128xf32, #tpu.memory_space<vmem>>
      %dma_wait3A_403 = arith.constant 0 : i32
      %dma_wait3A_404 = arith.constant 0 : i32
      %dma_wait3A_405 = tpu.memref_slice %arg7[%dma_wait3A_403, %dma_wait3A_404] : memref<204800x384xf32, #tpu.memory_space<hbm>> -> memref<64x128xf32, #tpu.memory_space<hbm>>
      %dma_wait3A_406 = arith.constant 0 : i32
      %dma_wait3A_407 = arith.constant 0 : i32
      %dma_wait3A_408 = tpu.memref_slice %arg14[%dma_wait3A_406, %dma_wait3A_407] : memref<64x384xf32, #tpu.memory_space<vmem>> -> memref<64x128xf32, #tpu.memory_space<vmem>>
      %dma_wait3A_409 = arith.constant 0 : i32
      %dma_wait3A_410 = arith.constant 0 : i32
      %dma_wait3A_411 = tpu.memref_slice %arg7[%dma_wait3A_409, %dma_wait3A_410] : memref<204800x384xf32, #tpu.memory_space<hbm>> -> memref<64x128xf32, #tpu.memory_space<hbm>>
      tpu.wait_dma2 semaphore(%arg24 : memref<!tpu.dma_semaphore, #tpu.memory_space<semaphore_mem>>) src(%dma_wait3A_411 : memref<64x128xf32, #tpu.memory_space<hbm>>) dst(%dma_wait3A_408 : memref<64x128xf32, #tpu.memory_space<vmem>>)
      %mul3A_412 = arith.constant 64 : i32
      %mul3A_413 = arith.muli %add3A_399, %mul3A_412 : i32
      %add3A_414 = arith.addi %mul3A_2, %mul3A_413 : i32
      %dma_start3A_415 = arith.constant 0 : i32
      %dma_start3A_416 = arith.constant 0 : i32
      %dma_start3A_417 = tpu.memref_slice %arg14[%dma_start3A_415, %dma_start3A_416] : memref<64x384xf32, #tpu.memory_space<vmem>> -> memref<64x128xf32, #tpu.memory_space<vmem>>
      %dma_start3A_418 = arith.constant 0 : i32
      %dma_start3A_419 = tpu.memref_slice %arg7[%add3A_414, %dma_start3A_418] : memref<204800x384xf32, #tpu.memory_space<hbm>> -> memref<64x128xf32, #tpu.memory_space<hbm>>
      %dma_start3A_420 = arith.constant 0 : i32
      %dma_start3A_421 = tpu.memref_slice %arg7[%add3A_414, %dma_start3A_420] : memref<204800x384xf32, #tpu.memory_space<hbm>> -> memref<64x128xf32, #tpu.memory_space<hbm>>
      %dma_start3A_422 = arith.constant 0 : i32
      %dma_start3A_423 = arith.constant 0 : i32
      %dma_start3A_424 = tpu.memref_slice %arg14[%dma_start3A_422, %dma_start3A_423] : memref<64x384xf32, #tpu.memory_space<vmem>> -> memref<64x128xf32, #tpu.memory_space<vmem>>
      tpu.enqueue_dma source(%dma_start3A_424 : memref<64x128xf32, #tpu.memory_space<vmem>>) target(%dma_start3A_421 : memref<64x128xf32, #tpu.memory_space<hbm>>) target_semaphore(%arg30 : memref<!tpu.dma_semaphore, #tpu.memory_space<semaphore_mem>>)
      %dma_wait3A_425 = arith.constant 0 : i32
      %dma_wait3A_426 = arith.constant 128 : i32
      %dma_wait3A_427 = tpu.memref_slice %arg14[%dma_wait3A_425, %dma_wait3A_426] : memref<64x384xf32, #tpu.memory_space<vmem>> -> memref<64x128xf32, #tpu.memory_space<vmem>>
      %dma_wait3A_428 = arith.constant 0 : i32
      %dma_wait3A_429 = arith.constant 0 : i32
      %dma_wait3A_430 = tpu.memref_slice %arg7[%dma_wait3A_428, %dma_wait3A_429] : memref<204800x384xf32, #tpu.memory_space<hbm>> -> memref<64x128xf32, #tpu.memory_space<hbm>>
      %dma_wait3A_431 = arith.constant 0 : i32
      %dma_wait3A_432 = arith.constant 128 : i32
      %dma_wait3A_433 = tpu.memref_slice %arg14[%dma_wait3A_431, %dma_wait3A_432] : memref<64x384xf32, #tpu.memory_space<vmem>> -> memref<64x128xf32, #tpu.memory_space<vmem>>
      %dma_wait3A_434 = arith.constant 0 : i32
      %dma_wait3A_435 = arith.constant 0 : i32
      %dma_wait3A_436 = tpu.memref_slice %arg7[%dma_wait3A_434, %dma_wait3A_435] : memref<204800x384xf32, #tpu.memory_space<hbm>> -> memref<64x128xf32, #tpu.memory_space<hbm>>
      tpu.wait_dma2 semaphore(%arg25 : memref<!tpu.dma_semaphore, #tpu.memory_space<semaphore_mem>>) src(%dma_wait3A_436 : memref<64x128xf32, #tpu.memory_space<hbm>>) dst(%dma_wait3A_433 : memref<64x128xf32, #tpu.memory_space<vmem>>)
      %mul3A_437 = arith.constant 64 : i32
      %mul3A_438 = arith.muli %add3A_399, %mul3A_437 : i32
      %add3A_439 = arith.addi %mul3A_2, %mul3A_438 : i32
      %dma_start3A_440 = arith.constant 0 : i32
      %dma_start3A_441 = arith.constant 128 : i32
      %dma_start3A_442 = tpu.memref_slice %arg14[%dma_start3A_440, %dma_start3A_441] : memref<64x384xf32, #tpu.memory_space<vmem>> -> memref<64x128xf32, #tpu.memory_space<vmem>>
      %dma_start3A_443 = arith.constant 128 : i32
      %dma_start3A_444 = tpu.memref_slice %arg7[%add3A_439, %dma_start3A_443] : memref<204800x384xf32, #tpu.memory_space<hbm>> -> memref<64x128xf32, #tpu.memory_space<hbm>>
      %dma_start3A_445 = arith.constant 128 : i32
      %dma_start3A_446 = tpu.memref_slice %arg7[%add3A_439, %dma_start3A_445] : memref<204800x384xf32, #tpu.memory_space<hbm>> -> memref<64x128xf32, #tpu.memory_space<hbm>>
      %dma_start3A_447 = arith.constant 0 : i32
      %dma_start3A_448 = arith.constant 128 : i32
      %dma_start3A_449 = tpu.memref_slice %arg14[%dma_start3A_447, %dma_start3A_448] : memref<64x384xf32, #tpu.memory_space<vmem>> -> memref<64x128xf32, #tpu.memory_space<vmem>>
      tpu.enqueue_dma source(%dma_start3A_449 : memref<64x128xf32, #tpu.memory_space<vmem>>) target(%dma_start3A_446 : memref<64x128xf32, #tpu.memory_space<hbm>>) target_semaphore(%arg30 : memref<!tpu.dma_semaphore, #tpu.memory_space<semaphore_mem>>)
      %dma_wait3A_450 = arith.constant 0 : i32
      %dma_wait3A_451 = arith.constant 256 : i32
      %dma_wait3A_452 = tpu.memref_slice %arg14[%dma_wait3A_450, %dma_wait3A_451] : memref<64x384xf32, #tpu.memory_space<vmem>> -> memref<64x128xf32, #tpu.memory_space<vmem>>
      %dma_wait3A_453 = arith.constant 0 : i32
      %dma_wait3A_454 = arith.constant 0 : i32
      %dma_wait3A_455 = tpu.memref_slice %arg7[%dma_wait3A_453, %dma_wait3A_454] : memref<204800x384xf32, #tpu.memory_space<hbm>> -> memref<64x128xf32, #tpu.memory_space<hbm>>
      %dma_wait3A_456 = arith.constant 0 : i32
      %dma_wait3A_457 = arith.constant 256 : i32
      %dma_wait3A_458 = tpu.memref_slice %arg14[%dma_wait3A_456, %dma_wait3A_457] : memref<64x384xf32, #tpu.memory_space<vmem>> -> memref<64x128xf32, #tpu.memory_space<vmem>>
      %dma_wait3A_459 = arith.constant 0 : i32
      %dma_wait3A_460 = arith.constant 0 : i32
      %dma_wait3A_461 = tpu.memref_slice %arg7[%dma_wait3A_459, %dma_wait3A_460] : memref<204800x384xf32, #tpu.memory_space<hbm>> -> memref<64x128xf32, #tpu.memory_space<hbm>>
      tpu.wait_dma2 semaphore(%arg26 : memref<!tpu.dma_semaphore, #tpu.memory_space<semaphore_mem>>) src(%dma_wait3A_461 : memref<64x128xf32, #tpu.memory_space<hbm>>) dst(%dma_wait3A_458 : memref<64x128xf32, #tpu.memory_space<vmem>>)
      %mul3A_462 = arith.constant 64 : i32
      %mul3A_463 = arith.muli %add3A_399, %mul3A_462 : i32
      %add3A_464 = arith.addi %mul3A_2, %mul3A_463 : i32
      %dma_start3A_465 = arith.constant 0 : i32
      %dma_start3A_466 = arith.constant 256 : i32
      %dma_start3A_467 = tpu.memref_slice %arg14[%dma_start3A_465, %dma_start3A_466] : memref<64x384xf32, #tpu.memory_space<vmem>> -> memref<64x128xf32, #tpu.memory_space<vmem>>
      %dma_start3A_468 = arith.constant 256 : i32
      %dma_start3A_469 = tpu.memref_slice %arg7[%add3A_464, %dma_start3A_468] : memref<204800x384xf32, #tpu.memory_space<hbm>> -> memref<64x128xf32, #tpu.memory_space<hbm>>
      %dma_start3A_470 = arith.constant 256 : i32
      %dma_start3A_471 = tpu.memref_slice %arg7[%add3A_464, %dma_start3A_470] : memref<204800x384xf32, #tpu.memory_space<hbm>> -> memref<64x128xf32, #tpu.memory_space<hbm>>
      %dma_start3A_472 = arith.constant 0 : i32
      %dma_start3A_473 = arith.constant 256 : i32
      %dma_start3A_474 = tpu.memref_slice %arg14[%dma_start3A_472, %dma_start3A_473] : memref<64x384xf32, #tpu.memory_space<vmem>> -> memref<64x128xf32, #tpu.memory_space<vmem>>
      tpu.enqueue_dma source(%dma_start3A_474 : memref<64x128xf32, #tpu.memory_space<vmem>>) target(%dma_start3A_471 : memref<64x128xf32, #tpu.memory_space<hbm>>) target_semaphore(%arg30 : memref<!tpu.dma_semaphore, #tpu.memory_space<semaphore_mem>>)
      %ge3A_475 = arith.constant 2 : i32
      "tpu.trace_start"() <{level = 10 : i32, message = "drain_w"}> : () -> ()
      %ge3A_476 = arith.cmpi sge, %add3A_399, %ge3A_475 : i32
      %convert_element_type3A_477 = arith.extui %ge3A_476 : i1 to i32
      %cond3A_478 = arith.constant 0 : i32
      %cond3A_479 = arith.cmpi ne, %convert_element_type3A_477, %cond3A_478 : i32
      scf.if %cond3A_479 {
        %dma_wait3A_487 = arith.constant 0 : i32
        %dma_wait3A_488 = arith.constant 0 : i32
        %dma_wait3A_489 = tpu.memref_slice %arg12[%dma_wait3A_487, %dma_wait3A_488] : memref<64x384xf32, #tpu.memory_space<vmem>> -> memref<64x128xf32, #tpu.memory_space<vmem>>
        %dma_wait3A_490 = arith.constant 0 : i32
        %dma_wait3A_491 = arith.constant 0 : i32
        %dma_wait3A_492 = tpu.memref_slice %arg7[%dma_wait3A_490, %dma_wait3A_491] : memref<204800x384xf32, #tpu.memory_space<hbm>> -> memref<64x128xf32, #tpu.memory_space<hbm>>
        %dma_wait3A_493 = arith.constant 0 : i32
        %dma_wait3A_494 = arith.constant 0 : i32
        %dma_wait3A_495 = tpu.memref_slice %arg7[%dma_wait3A_493, %dma_wait3A_494] : memref<204800x384xf32, #tpu.memory_space<hbm>> -> memref<64x128xf32, #tpu.memory_space<hbm>>
        %dma_wait3A_496 = arith.constant 0 : i32
        %dma_wait3A_497 = arith.constant 0 : i32
        %dma_wait3A_498 = tpu.memref_slice %arg12[%dma_wait3A_496, %dma_wait3A_497] : memref<64x384xf32, #tpu.memory_space<vmem>> -> memref<64x128xf32, #tpu.memory_space<vmem>>
        tpu.wait_dma2 semaphore(%arg28 : memref<!tpu.dma_semaphore, #tpu.memory_space<semaphore_mem>>) src(%dma_wait3A_498 : memref<64x128xf32, #tpu.memory_space<vmem>>) dst(%dma_wait3A_495 : memref<64x128xf32, #tpu.memory_space<hbm>>)
        %dma_wait3A_499 = arith.constant 0 : i32
        %dma_wait3A_500 = arith.constant 128 : i32
        %dma_wait3A_501 = tpu.memref_slice %arg12[%dma_wait3A_499, %dma_wait3A_500] : memref<64x384xf32, #tpu.memory_space<vmem>> -> memref<64x128xf32, #tpu.memory_space<vmem>>
        %dma_wait3A_502 = arith.constant 0 : i32
        %dma_wait3A_503 = arith.constant 0 : i32
        %dma_wait3A_504 = tpu.memref_slice %arg7[%dma_wait3A_502, %dma_wait3A_503] : memref<204800x384xf32, #tpu.memory_space<hbm>> -> memref<64x128xf32, #tpu.memory_space<hbm>>
        %dma_wait3A_505 = arith.constant 0 : i32
        %dma_wait3A_506 = arith.constant 0 : i32
        %dma_wait3A_507 = tpu.memref_slice %arg7[%dma_wait3A_505, %dma_wait3A_506] : memref<204800x384xf32, #tpu.memory_space<hbm>> -> memref<64x128xf32, #tpu.memory_space<hbm>>
        %dma_wait3A_508 = arith.constant 0 : i32
        %dma_wait3A_509 = arith.constant 128 : i32
        %dma_wait3A_510 = tpu.memref_slice %arg12[%dma_wait3A_508, %dma_wait3A_509] : memref<64x384xf32, #tpu.memory_space<vmem>> -> memref<64x128xf32, #tpu.memory_space<vmem>>
        tpu.wait_dma2 semaphore(%arg28 : memref<!tpu.dma_semaphore, #tpu.memory_space<semaphore_mem>>) src(%dma_wait3A_510 : memref<64x128xf32, #tpu.memory_space<vmem>>) dst(%dma_wait3A_507 : memref<64x128xf32, #tpu.memory_space<hbm>>)
        %dma_wait3A_511 = arith.constant 0 : i32
        %dma_wait3A_512 = arith.constant 256 : i32
        %dma_wait3A_513 = tpu.memref_slice %arg12[%dma_wait3A_511, %dma_wait3A_512] : memref<64x384xf32, #tpu.memory_space<vmem>> -> memref<64x128xf32, #tpu.memory_space<vmem>>
        %dma_wait3A_514 = arith.constant 0 : i32
        %dma_wait3A_515 = arith.constant 0 : i32
        %dma_wait3A_516 = tpu.memref_slice %arg7[%dma_wait3A_514, %dma_wait3A_515] : memref<204800x384xf32, #tpu.memory_space<hbm>> -> memref<64x128xf32, #tpu.memory_space<hbm>>
        %dma_wait3A_517 = arith.constant 0 : i32
        %dma_wait3A_518 = arith.constant 0 : i32
        %dma_wait3A_519 = tpu.memref_slice %arg7[%dma_wait3A_517, %dma_wait3A_518] : memref<204800x384xf32, #tpu.memory_space<hbm>> -> memref<64x128xf32, #tpu.memory_space<hbm>>
        %dma_wait3A_520 = arith.constant 0 : i32
        %dma_wait3A_521 = arith.constant 256 : i32
        %dma_wait3A_522 = tpu.memref_slice %arg12[%dma_wait3A_520, %dma_wait3A_521] : memref<64x384xf32, #tpu.memory_space<vmem>> -> memref<64x128xf32, #tpu.memory_space<vmem>>
        tpu.wait_dma2 semaphore(%arg28 : memref<!tpu.dma_semaphore, #tpu.memory_space<semaphore_mem>>) src(%dma_wait3A_522 : memref<64x128xf32, #tpu.memory_space<vmem>>) dst(%dma_wait3A_519 : memref<64x128xf32, #tpu.memory_space<hbm>>)
      } else {
      }
      "tpu.trace_stop"() : () -> ()
      "tpu.trace_start"() <{level = 10 : i32, message = "next_g"}> : () -> ()
      %add3A_480 = arith.constant 2 : i32
      %add3A_481 = arith.addi %add3A_399, %add3A_480 : i32
      %lt3A_482 = arith.constant 100 : i32
      %lt3A_483 = arith.cmpi slt, %add3A_481, %lt3A_482 : i32
      %convert_element_type3A_484 = arith.extui %lt3A_483 : i1 to i32
      %cond3A_485 = arith.constant 0 : i32
      %cond3A_486 = arith.cmpi ne, %convert_element_type3A_484, %cond3A_485 : i32
      scf.if %cond3A_486 {
        %add3A_487 = arith.constant 2 : i32
        %add3A_488 = arith.addi %add3A_399, %add3A_487 : i32
        %mul3A_489 = arith.constant 64 : i32
        %mul3A_490 = arith.muli %add3A_488, %mul3A_489 : i32
        %dma_start3A_491 = arith.constant 0 : i32
        %dma_start3A_492 = arith.constant 0 : i32
        %dma_start3A_493 = tpu.memref_slice %arg12[%dma_start3A_491, %dma_start3A_492] : memref<64x384xf32, #tpu.memory_space<vmem>> -> memref<64x128xf32, #tpu.memory_space<vmem>>
        %dma_start3A_494 = tpu.memref_slice %arg8[%mul3A_490] : memref<6400xi32, #tpu.memory_space<vmem>> -> memref<64xi32, #tpu.memory_space<vmem>>
        %dma_start3A_495 = arith.constant 0 : i32
        %dma_start3A_496 = arith.constant 0 : i32
        %dma_start3A_497 = tpu.memref_slice %arg5[%dma_start3A_495, %dma_start3A_496] : memref<100000x128xf32, #tpu.memory_space<hbm>> -> memref<100000x128xf32, #tpu.memory_space<hbm>>
        tpu.enqueue_indirect_dma source(%dma_start3A_497 : memref<100000x128xf32, #tpu.memory_space<hbm>>) target(%dma_start3A_493 : memref<64x128xf32, #tpu.memory_space<vmem>>) offsets(%dma_start3A_494 : memref<64xi32, #tpu.memory_space<vmem>>) semaphore(%arg18 : memref<!tpu.dma_semaphore, #tpu.memory_space<semaphore_mem>>)
        %dma_start3A_498 = arith.constant 0 : i32
        %dma_start3A_499 = arith.constant 128 : i32
        %dma_start3A_500 = tpu.memref_slice %arg12[%dma_start3A_498, %dma_start3A_499] : memref<64x384xf32, #tpu.memory_space<vmem>> -> memref<64x128xf32, #tpu.memory_space<vmem>>
        %dma_start3A_501 = tpu.memref_slice %arg9[%mul3A_490] : memref<6400xi32, #tpu.memory_space<vmem>> -> memref<64xi32, #tpu.memory_space<vmem>>
        %dma_start3A_502 = arith.constant 0 : i32
        %dma_start3A_503 = arith.constant 0 : i32
        %dma_start3A_504 = tpu.memref_slice %arg6[%dma_start3A_502, %dma_start3A_503] : memref<100000x128xf32, #tpu.memory_space<hbm>> -> memref<100000x128xf32, #tpu.memory_space<hbm>>
        tpu.enqueue_indirect_dma source(%dma_start3A_504 : memref<100000x128xf32, #tpu.memory_space<hbm>>) target(%dma_start3A_500 : memref<64x128xf32, #tpu.memory_space<vmem>>) offsets(%dma_start3A_501 : memref<64xi32, #tpu.memory_space<vmem>>) semaphore(%arg19 : memref<!tpu.dma_semaphore, #tpu.memory_space<semaphore_mem>>)
        %dma_start3A_505 = arith.constant 0 : i32
        %dma_start3A_506 = arith.constant 256 : i32
        %dma_start3A_507 = tpu.memref_slice %arg12[%dma_start3A_505, %dma_start3A_506] : memref<64x384xf32, #tpu.memory_space<vmem>> -> memref<64x128xf32, #tpu.memory_space<vmem>>
        %dma_start3A_508 = tpu.memref_slice %arg10[%mul3A_490] : memref<6400xi32, #tpu.memory_space<vmem>> -> memref<64xi32, #tpu.memory_space<vmem>>
        %dma_start3A_509 = arith.constant 0 : i32
        %dma_start3A_510 = arith.constant 0 : i32
        %dma_start3A_511 = tpu.memref_slice %arg5[%dma_start3A_509, %dma_start3A_510] : memref<100000x128xf32, #tpu.memory_space<hbm>> -> memref<100000x128xf32, #tpu.memory_space<hbm>>
        tpu.enqueue_indirect_dma source(%dma_start3A_511 : memref<100000x128xf32, #tpu.memory_space<hbm>>) target(%dma_start3A_507 : memref<64x128xf32, #tpu.memory_space<vmem>>) offsets(%dma_start3A_508 : memref<64xi32, #tpu.memory_space<vmem>>) semaphore(%arg20 : memref<!tpu.dma_semaphore, #tpu.memory_space<semaphore_mem>>)
      } else {
      }
      "tpu.trace_stop"() : () -> ()
    }
    %scan3A_54 = arith.constant 25 : i32
    %dma_wait3A = arith.constant 0 : i32
    %dma_wait3A_55 = arith.constant 0 : i32
    %dma_wait3A_56 = tpu.memref_slice %arg13[%dma_wait3A, %dma_wait3A_55] : memref<64x384xf32, #tpu.memory_space<vmem>> -> memref<64x128xf32, #tpu.memory_space<vmem>>
    %dma_wait3A_57 = arith.constant 0 : i32
    %dma_wait3A_58 = arith.constant 0 : i32
    %dma_wait3A_59 = tpu.memref_slice %arg7[%dma_wait3A_57, %dma_wait3A_58] : memref<204800x384xf32, #tpu.memory_space<hbm>> -> memref<64x128xf32, #tpu.memory_space<hbm>>
    %dma_wait3A_60 = arith.constant 0 : i32
    %dma_wait3A_61 = arith.constant 0 : i32
    %dma_wait3A_62 = tpu.memref_slice %arg7[%dma_wait3A_60, %dma_wait3A_61] : memref<204800x384xf32, #tpu.memory_space<hbm>> -> memref<64x128xf32, #tpu.memory_space<hbm>>
    %dma_wait3A_63 = arith.constant 0 : i32
    %dma_wait3A_64 = arith.constant 0 : i32
    %dma_wait3A_65 = tpu.memref_slice %arg13[%dma_wait3A_63, %dma_wait3A_64] : memref<64x384xf32, #tpu.memory_space<vmem>> -> memref<64x128xf32, #tpu.memory_space<vmem>>
    tpu.wait_dma2 semaphore(%arg29 : memref<!tpu.dma_semaphore, #tpu.memory_space<semaphore_mem>>) src(%dma_wait3A_65 : memref<64x128xf32, #tpu.memory_space<vmem>>) dst(%dma_wait3A_62 : memref<64x128xf32, #tpu.memory_space<hbm>>)
    %dma_wait3A_66 = arith.constant 0 : i32
    %dma_wait3A_67 = arith.constant 128 : i32
    %dma_wait3A_68 = tpu.memref_slice %arg13[%dma_wait3A_66, %dma_wait3A_67] : memref<64x384xf32, #tpu.memory_space<vmem>> -> memref<64x128xf32, #tpu.memory_space<vmem>>
    %dma_wait3A_69 = arith.constant 0 : i32
    %dma_wait3A_70 = arith.constant 0 : i32
    %dma_wait3A_71 = tpu.memref_slice %arg7[%dma_wait3A_69, %dma_wait3A_70] : memref<204800x384xf32, #tpu.memory_space<hbm>> -> memref<64x128xf32, #tpu.memory_space<hbm>>
    %dma_wait3A_72 = arith.constant 0 : i32
    %dma_wait3A_73 = arith.constant 0 : i32
    %dma_wait3A_74 = tpu.memref_slice %arg7[%dma_wait3A_72, %dma_wait3A_73] : memref<204800x384xf32, #tpu.memory_space<hbm>> -> memref<64x128xf32, #tpu.memory_space<hbm>>
    %dma_wait3A_75 = arith.constant 0 : i32
    %dma_wait3A_76 = arith.constant 128 : i32
    %dma_wait3A_77 = tpu.memref_slice %arg13[%dma_wait3A_75, %dma_wait3A_76] : memref<64x384xf32, #tpu.memory_space<vmem>> -> memref<64x128xf32, #tpu.memory_space<vmem>>
    tpu.wait_dma2 semaphore(%arg29 : memref<!tpu.dma_semaphore, #tpu.memory_space<semaphore_mem>>) src(%dma_wait3A_77 : memref<64x128xf32, #tpu.memory_space<vmem>>) dst(%dma_wait3A_74 : memref<64x128xf32, #tpu.memory_space<hbm>>)
    %dma_wait3A_78 = arith.constant 0 : i32
    %dma_wait3A_79 = arith.constant 256 : i32
    %dma_wait3A_80 = tpu.memref_slice %arg13[%dma_wait3A_78, %dma_wait3A_79] : memref<64x384xf32, #tpu.memory_space<vmem>> -> memref<64x128xf32, #tpu.memory_space<vmem>>
    %dma_wait3A_81 = arith.constant 0 : i32
    %dma_wait3A_82 = arith.constant 0 : i32
    %dma_wait3A_83 = tpu.memref_slice %arg7[%dma_wait3A_81, %dma_wait3A_82] : memref<204800x384xf32, #tpu.memory_space<hbm>> -> memref<64x128xf32, #tpu.memory_space<hbm>>
    %dma_wait3A_84 = arith.constant 0 : i32
    %dma_wait3A_85 = arith.constant 0 : i32
    %dma_wait3A_86 = tpu.memref_slice %arg7[%dma_wait3A_84, %dma_wait3A_85] : memref<204800x384xf32, #tpu.memory_space<hbm>> -> memref<64x128xf32, #tpu.memory_space<hbm>>
    %dma_wait3A_87 = arith.constant 0 : i32
    %dma_wait3A_88 = arith.constant 256 : i32
    %dma_wait3A_89 = tpu.memref_slice %arg13[%dma_wait3A_87, %dma_wait3A_88] : memref<64x384xf32, #tpu.memory_space<vmem>> -> memref<64x128xf32, #tpu.memory_space<vmem>>
    tpu.wait_dma2 semaphore(%arg29 : memref<!tpu.dma_semaphore, #tpu.memory_space<semaphore_mem>>) src(%dma_wait3A_89 : memref<64x128xf32, #tpu.memory_space<vmem>>) dst(%dma_wait3A_86 : memref<64x128xf32, #tpu.memory_space<hbm>>)
    %dma_wait3A_90 = arith.constant 0 : i32
    %dma_wait3A_91 = arith.constant 0 : i32
    %dma_wait3A_92 = tpu.memref_slice %arg14[%dma_wait3A_90, %dma_wait3A_91] : memref<64x384xf32, #tpu.memory_space<vmem>> -> memref<64x128xf32, #tpu.memory_space<vmem>>
    %dma_wait3A_93 = arith.constant 0 : i32
    %dma_wait3A_94 = arith.constant 0 : i32
    %dma_wait3A_95 = tpu.memref_slice %arg7[%dma_wait3A_93, %dma_wait3A_94] : memref<204800x384xf32, #tpu.memory_space<hbm>> -> memref<64x128xf32, #tpu.memory_space<hbm>>
    %dma_wait3A_96 = arith.constant 0 : i32
    %dma_wait3A_97 = arith.constant 0 : i32
    %dma_wait3A_98 = tpu.memref_slice %arg7[%dma_wait3A_96, %dma_wait3A_97] : memref<204800x384xf32, #tpu.memory_space<hbm>> -> memref<64x128xf32, #tpu.memory_space<hbm>>
    %dma_wait3A_99 = arith.constant 0 : i32
    %dma_wait3A_100 = arith.constant 0 : i32
    %dma_wait3A_101 = tpu.memref_slice %arg14[%dma_wait3A_99, %dma_wait3A_100] : memref<64x384xf32, #tpu.memory_space<vmem>> -> memref<64x128xf32, #tpu.memory_space<vmem>>
    tpu.wait_dma2 semaphore(%arg30 : memref<!tpu.dma_semaphore, #tpu.memory_space<semaphore_mem>>) src(%dma_wait3A_101 : memref<64x128xf32, #tpu.memory_space<vmem>>) dst(%dma_wait3A_98 : memref<64x128xf32, #tpu.memory_space<hbm>>)
    %dma_wait3A_102 = arith.constant 0 : i32
    %dma_wait3A_103 = arith.constant 128 : i32
    %dma_wait3A_104 = tpu.memref_slice %arg14[%dma_wait3A_102, %dma_wait3A_103] : memref<64x384xf32, #tpu.memory_space<vmem>> -> memref<64x128xf32, #tpu.memory_space<vmem>>
    %dma_wait3A_105 = arith.constant 0 : i32
    %dma_wait3A_106 = arith.constant 0 : i32
    %dma_wait3A_107 = tpu.memref_slice %arg7[%dma_wait3A_105, %dma_wait3A_106] : memref<204800x384xf32, #tpu.memory_space<hbm>> -> memref<64x128xf32, #tpu.memory_space<hbm>>
    %dma_wait3A_108 = arith.constant 0 : i32
    %dma_wait3A_109 = arith.constant 0 : i32
    %dma_wait3A_110 = tpu.memref_slice %arg7[%dma_wait3A_108, %dma_wait3A_109] : memref<204800x384xf32, #tpu.memory_space<hbm>> -> memref<64x128xf32, #tpu.memory_space<hbm>>
    %dma_wait3A_111 = arith.constant 0 : i32
    %dma_wait3A_112 = arith.constant 128 : i32
    %dma_wait3A_113 = tpu.memref_slice %arg14[%dma_wait3A_111, %dma_wait3A_112] : memref<64x384xf32, #tpu.memory_space<vmem>> -> memref<64x128xf32, #tpu.memory_space<vmem>>
    tpu.wait_dma2 semaphore(%arg30 : memref<!tpu.dma_semaphore, #tpu.memory_space<semaphore_mem>>) src(%dma_wait3A_113 : memref<64x128xf32, #tpu.memory_space<vmem>>) dst(%dma_wait3A_110 : memref<64x128xf32, #tpu.memory_space<hbm>>)
    %dma_wait3A_114 = arith.constant 0 : i32
    %dma_wait3A_115 = arith.constant 256 : i32
    %dma_wait3A_116 = tpu.memref_slice %arg14[%dma_wait3A_114, %dma_wait3A_115] : memref<64x384xf32, #tpu.memory_space<vmem>> -> memref<64x128xf32, #tpu.memory_space<vmem>>
    %dma_wait3A_117 = arith.constant 0 : i32
    %dma_wait3A_118 = arith.constant 0 : i32
    %dma_wait3A_119 = tpu.memref_slice %arg7[%dma_wait3A_117, %dma_wait3A_118] : memref<204800x384xf32, #tpu.memory_space<hbm>> -> memref<64x128xf32, #tpu.memory_space<hbm>>
    %dma_wait3A_120 = arith.constant 0 : i32
    %dma_wait3A_121 = arith.constant 0 : i32
    %dma_wait3A_122 = tpu.memref_slice %arg7[%dma_wait3A_120, %dma_wait3A_121] : memref<204800x384xf32, #tpu.memory_space<hbm>> -> memref<64x128xf32, #tpu.memory_space<hbm>>
    %dma_wait3A_123 = arith.constant 0 : i32
    %dma_wait3A_124 = arith.constant 256 : i32
    %dma_wait3A_125 = tpu.memref_slice %arg14[%dma_wait3A_123, %dma_wait3A_124] : memref<64x384xf32, #tpu.memory_space<vmem>> -> memref<64x128xf32, #tpu.memory_space<vmem>>
    tpu.wait_dma2 semaphore(%arg30 : memref<!tpu.dma_semaphore, #tpu.memory_space<semaphore_mem>>) src(%dma_wait3A_125 : memref<64x128xf32, #tpu.memory_space<vmem>>) dst(%dma_wait3A_122 : memref<64x128xf32, #tpu.memory_space<hbm>>)
    return
  }
}

</mosaic_0001>

<sc_bundles>
// kernel: _run.3.cloned.1.call-start
scs
__scs_entry_jumppad:
0x0: {  	(pc) =	sbr.rel $0x88, $3  }
0x1: {  	(tag) =	ssettag $0x0;
	lr =	simm.s32 $0x1  }
0x2: {  	[smem:$0x3F9C] =	sst lr;
	_ =	strace $0xD0000000  }
0x3: {  	_ = 	snop  }
0x4: {  	_ = 	snop  }
0x5: {  	_ = 	snop  }
0x6: {  	_ = 	snop  }
0x7: {  	_ = 	snop  }
__scs_overlays_trampoline_lowered:
0x8: {  	[smem:$0x3FAB] =	sst s0  }
0x9: {  	[smem:$0x3FAC] =	sst s1  }
0xa: {  	[smem:$0x3FAD] =	sst s2  }
0xb: {  	[smem:$0x3FAE] =	sst s3  }
0xc: {  	[smem:$0x3FAF] =	sst s4  }
0xd: {  	[smem:$0x3FB0] =	sst s5  }
0xe: {  	[smem:$0x3FB1] =	sst s6  }
0xf: {  	[smem:$0x3FB2] =	sst s7  }
0x10: {  	[smem:$0x3FB3] =	sst s8  }
0x11: {  	[smem:$0x3FB4] =	sst s9;
	s0 =	simm.s32 @!p0 $0x0  }
0x12: {  	s1 =	sld [smem:$0x3F9A];
	s0 =	simm.s32 @p0 $0x1  }
0x13: {  	[smem:$0x3FB5] =	sst s0;
	s0 =	simm.s32 @!p1 $0x0  }
0x14: {  	s2 =	sld [smem:$0x3F99];
	s0 =	simm.s32 @p1 $0x1  }
0x15: {  	[smem:$0x3FB6] =	sst s0;
	s0 =	simm.s32 @!p2 $0x0  }
0x16: {  	s3 =	sld [smem:$0x3FDB];
	s0 =	simm.s32 @p2 $0x1  }
0x17: {  	s4 =	simm.s32 $0x1BF5;
	[smem:$0x3FB8] =	sst s0  }
0x18: {  	s0 =	sld [smem:$0x3F9B];
	_ =	swait.ge [sflag:s4], $0x0  }
0x19: {  	s7 =	sld [smem:$0x3F9C]  }
0x1a: {  	s8 =	sadd.s32 $0xFFFFE003, lr  }
0x1b: {  	s9 =	sadd.s32 $0xFFFFFEF7, lr;
	s5 =	simm.s32 $0xFFFFFFFF;
	p2 =	slt.u32 s8, $0xFFFFF086  }
0x1c: {  	p1 =	slt.u32 s9, $0xF7A;
	s5 =	simm.s32 @!p2 $0x0  }
0x1d: {  	s5 =	simm.s32 @p1 $0x1;
	p0 =	seq.s32 s7, s2  }
0x1e: {  	s7 =	smul.u32 @!p0 $0xF7A, s2;
	p2 =	seq.s32 @!p0 s5, $0x0  }
0x1f: {  	s9 =	smul.u32 $0xF7A, s1;
	s8 =	simm.s32 @!p0 $0x1BF5;
	p2 =	por !p2, p0  }
0x20: {  	[sflag:s8] =	ssyncset.s32 @!p0 $0xFFFFF086;
	s6 =	sadd.s32 @!p0 s3, s7;
	s7 =	simm.s32 @!p0 $0x108  }
0x21: {  	s3 =	sadd.s32 s3, s9;
	s6 =	sadd.s32 @!p0 $0x88, s6;
	s7 =	simm.s32 @p2 $0x1082  }
0x22: {  	[simem:s7], [sflag:s8] =	dma.local @!p0 [hbm:s6], $0xF7A  }
0x23: {  	s9 =	sor.u32 $0xD0000000, s2;
	s6 =	simm.s32 $0x108;
	_ =	swait.ge @!p0 [sflag:s8], $0x0  }
0x24: {  	s3 =	sadd.s32 $0x88, s3;
	s6 =	simm.s32 @!p1 $0x1082;
	[sflag:s4] =	ssyncset.s32 $0xFFFFF086  }
0x25: {  	[simem:s6], [sflag:s4] =	dma.local [hbm:s3], $0xF7A  }
0x26: {  	[smem:$0x3F9C] =	sst s1;
	(tag) =	ssettag s2;
	_ =	strace s9  }
0x27: {  	s1 =	sld [smem:$0x3FAC]  }
0x28: {  	s2 =	sld [smem:$0x3FAD]  }
0x29: {  	s4 =	sld [smem:$0x3FAF]  }
0x2a: {  	p0 =	seq.s32 s5, $0x0;
	s5 =	sld [smem:$0x3FB0]  }
0x2b: {  	s6 =	sld [smem:$0x3FB1]  }
0x2c: {  	s7 =	sld [smem:$0x3FB2]  }
0x2d: {  	s3 =	simm.s32 $0x108;
	s8 =	sld [smem:$0x3FB3]  }
0x2e: {  	s3 =	simm.s32 @!p0 $0x1082;
	s9 =	sld [smem:$0x3FB4]  }
0x2f: {  	lr =	sadd.s32 s0, s3;
	s0 =	sld [smem:$0x3FAB]  }
0x30: {  	s3 =	sld [smem:$0x3FAE]  }
0x31: {  	[smem:$0x3FB7] =	sst s10  }
0x32: {  	s10 =	sld [smem:$0x3FB5];
	_ =	sdelay $0x3  }
0x33: {  	p0 =	seq.s32 s10, $0x1;
	s10 =	sld [smem:$0x3FB7];
	_ =	sdelay $0x3  }
0x34: {  	[smem:$0x3FB7] =	sst s10  }
0x35: {  	s10 =	sld [smem:$0x3FB6];
	_ =	sdelay $0x3  }
0x36: {  	p1 =	seq.s32 s10, $0x1;
	s10 =	sld [smem:$0x3FB7];
	_ =	sdelay $0x3  }
0x37: {  	[smem:$0x3FB7] =	sst s10  }
0x38: {  	s10 =	sld [smem:$0x3FB8]  }
0x39: {  	_ = 	snop;
	(pc) =	sbr.ind lr, $3  }
0x3a: {  	_ = 	snop  }
0x3b: {  	_ = 	snop  }
0x3c: {  	p2 =	seq.s32 s10, $0x1;
	s10 =	sld [smem:$0x3FB7]  }
0x3d: {  	_ =	shalt  }
0x3e: {  	_ =	shalt  }
0x3f: {  	_ =	shalt  }
0x40: {  	_ =	shalt  }
0x41: {  	_ =	shalt  }
0x42: {  	_ =	shalt  }
0x43: {  	_ =	shalt  }
0x44: {  	_ =	shalt  }
0x45: {  	_ =	shalt  }
0x46: {  	_ =	shalt  }
0x47: {  	_ =	shalt  }
0x48: {  	_ =	shalt  }
0x49: {  	_ =	shalt  }
0x4a: {  	_ =	shalt  }
0x4b: {  	_ =	shalt  }
0x4c: {  	_ =	shalt  }
0x4d: {  	_ =	shalt  }
0x4e: {  	_ =	shalt  }
0x4f: {  	_ =	shalt  }
0x50: {  	_ =	shalt  }
0x51: {  	_ =	shalt  }
0x52: {  	_ =	shalt  }
0x53: {  	_ =	shalt  }
0x54: {  	_ =	shalt  }
0x55: {  	_ =	shalt  }
0x56: {  	_ =	shalt  }
0x57: {  	_ =	shalt  }
0x58: {  	_ =	shalt  }
0x59: {  	_ =	shalt  }
0x5a: {  	_ =	shalt  }
0x5b: {  	_ =	shalt  }
0x5c: {  	_ =	shalt  }
0x5d: {  	_ =	shalt  }
0x5e: {  	_ =	shalt  }
0x5f: {  	_ =	shalt  }
0x60: {  	_ =	shalt  }
0x61: {  	_ =	shalt  }
0x62: {  	_ =	shalt  }
0x63: {  	_ =	shalt  }
0x64: {  	_ =	shalt  }
0x65: {  	_ =	shalt  }
0x66: {  	_ =	shalt  }
0x67: {  	_ =	shalt  }
0x68: {  	_ =	shalt  }
0x69: {  	_ =	shalt  }
0x6a: {  	_ =	shalt  }
0x6b: {  	_ =	shalt  }
0x6c: {  	_ =	shalt  }
0x6d: {  	_ =	shalt  }
0x6e: {  	_ =	shalt  }
0x6f: {  	_ =	shalt  }
0x70: {  	_ =	shalt  }
0x71: {  	_ =	shalt  }
0x72: {  	_ =	shalt  }
0x73: {  	_ =	shalt  }
0x74: {  	_ =	shalt  }
0x75: {  	_ =	shalt  }
0x76: {  	_ =	shalt  }
0x77: {  	_ =	shalt  }
0x78: {  	_ =	shalt  }
0x79: {  	_ =	shalt  }
0x7a: {  	_ =	shalt  }
0x7b: {  	_ =	shalt  }
0x7c: {  	_ =	shalt  }
0x7d: {  	_ =	shalt  }
0x7e: {  	_ =	shalt  }
0x7f: {  	_ =	shalt  }
0x80: {  	_ =	shalt  }
0x81: {  	_ =	shalt  }
0x82: {  	_ =	shalt  }
0x83: {  	_ =	shalt  }
0x84: {  	_ =	shalt  }
0x85: {  	_ =	shalt  }
0x86: {  	_ =	shalt  }
0x87: {  	_ =	shalt  }
.Lfunc_end0:
.L_simem_size_0:
called_computation_lowered:
.L_overlay_start_0:
0x88: {  	s2 =	sld [smem:$0x3FD9]  }
0x89: {  	s3 =	sld [smem:$0x3FFE];
	_ =	sdelay $0x1  }
0x8a: {  	s1 =	srdreg.scid  }
0x8b: {  	s0 =	sand.u32 $0x1, s1  }
0x8c: {  	s18 =	sshll.u32 s0, $0xA;
	s2 =	sadd.s32 s3, s2  }
0x8d: {  	s2 =	sadd.s32 s2, s18  }
0x8e: {  	[smem:$0x3FC3] =	sst s2  }
0x8f: {  	_ = 	snop  }
0x90: {  	s2 =	sld [smem:$0x3FC9]  }
0x91: {  	s19 =	sld [smem:$0x3FC8]  }
0x92: {  	s4 =	sld [smem:$0x3FC7]  }
0x93: {  	s5 =	sld [smem:$0x3FC6]  }
0x94: {  	s6 =	sld [smem:$0x3FC5]  }
0x95: {  	s7 =	sld [smem:$0x3FD0];
	(tm) =	ssettm $0x1  }
0x96: {  	s8 =	sld [smem:$0x3FFB];
	_ =	sdelay $0x3  }
0x97: {  	_ =	strace s8  }
0x98: {  	s8 =	sld [smem:$0x3FFC];
	_ =	sdelay $0x3  }
0x99: {  	_ =	strace s8  }
0x9a: {  	s8 =	sld [smem:$0x3FFD];
	_ =	sdelay $0x3  }
0x9b: {  	_ =	strace s8  }
0x9c: {  	_ =	strace $0x8FFFFFFF  }
0x9d: {  	s20 =	sld [smem:$0x3FDB];
	_ =	sdelay $0x1  }
0x9e: {  	s9 =	simm.s32 $_scs_section_size  }
0x9f: {  	s10 =	simm.s32 $_size__tile_overlayer_lowered;
	s11 =	simm.s32 $_tile_overlayer_lowered  }
0xa0: {  	s23 =	simm.s32 $0x1BFF;
	s22 =	sshll.u32 s11, $0x1;
	s8 =	sadd.s32 s9, s20  }
0xa1: {  	s12 =	simm.s32 $0x0;
	s21 =	sshll.u32 s10, $0x1;
	s10 =	sadd.s32 s22, s8  }
0xa2: {  	[timem:s12], [sflag:s23] =	dma.local [hbm:s10], s21  }
0xa3: {  	_ =	swait.ge [sflag:s23], s21  }
0xa4: {  	s9 =	ssub.s32 $0x0, s21;
	[sflag:s23] =	ssyncset.done $0x0  }
0xa5: {  	[sflag:s23] =	ssyncadd.s32 s9;
	_ =	sdelay $0x1  }
0xa6: {  	s24 =	simm.s32 $0x1B8B  }
0xa7: {  	_ =	swait.ge [sflag:s24], $0x1  }
0xa8: {  	[sflag:s24] =	ssyncset.done $0x0  }
0xa9: {  	s25 =	simm.s32 $0x1B8E;
	[sflag:s24] =	ssyncadd.s32 $0xFFFFFFFF  }
0xaa: {  	s26 =	simm.s32 $execute0_lowered;
	[smem:$0x3FD2] =	sst s25  }
0xab: {  	s9 =	sshll.u32 s26, $0x1;
	_ =	strace $0x80000046;
	[dreg:$0x1] =	wrdreg $0xFFFFFFFF  }
0xac: {  	s28 =	simm.s32 $_size_execute0_lowered;
	s8 =	sadd.s32 s8, s9;
	[dreg:$0x0] =	wrdreg $0x0  }
0xad: {  	s9 =	sshll.u32 s28, $0x1;
	[dreg:$0x2] =	wrdreg s8  }
0xae: {  	[dreg:$0x3] =	wrdreg s9  }
0xaf: {  	[dreg:$0x4] =	wrdreg $0xC0  }
0xb0: {  	_ =	task [dreg:s12], $0x5FFFF  }
0xb1: {  	[dreg:$0x1] =	wrdreg $0xFFFFFFFF  }
0xb2: {  	[dreg:$0x0] =	wrdreg $0x60  }
0xb3: {  	[dreg:$0x2] =	wrdreg s2  }
0xb4: {  	[dreg:$0x3] =	wrdreg s19  }
0xb5: {  	[dreg:$0x4] =	wrdreg s4  }
0xb6: {  	[dreg:$0x5] =	wrdreg s5  }
0xb7: {  	[dreg:$0x6] =	wrdreg s6  }
0xb8: {  	[dreg:$0x7] =	wrdreg s7  }
0xb9: {  	[dreg:$0x8] =	wrdreg $0x9  }
0xba: {  	_ =	task.clear_ibuf [dreg:s12], $0x9FFFF;
	_ =	strace $0x90000046  }
0xbb: {  	s29 =	simm.s32 $0x9;
	_ =	strace $0x80000050  }
0xbc: {  	_ =	swait.ge [sflag:s29], $0x1  }
0xbd: {  	[sflag:s29] =	ssyncadd.s32 $0xFFFFFFFF  }
0xbe: {  	_ =	strace $0x90000050  }
0xbf: {  	_ =	sfence  }
0xc0: {  	s30 =	sld [smem:$0x0];
	_ =	sdelay $0x2  }
0xc1: {  	s31 =	sshll.u32 s1, $0xD;
	s1 =	sshrl.u32 s1, $0x2  }
0xc2: {  	s3 =	sand.u32 $0x4000, s31;
	s1 =	sadd.s32 s1, s30  }
0xc3: {  	s0 =	sor.u32 s3, s0;
	s1 =	sshll.u32 s1, $0x11  }
0xc4: {  	s0 =	sor.u32 s1, s0  }
0xc5: {  	s0 =	sadd.s32 $0x8F2B, s0  }
0xc6: {  	[sflag:s0] =	ssyncadd.remote.s32 $0x1  }
0xc7: {  	_ =	sfence.sel $0xFFFF  }
0xc8: {  	[dreg:$0x0] =	wrdreg $0xFFFFFFFF;
	(pc) =	sbr.abs _section_cstart, $3  }
0xc9: {  	[dreg:$0x1] =	wrdreg $0xFFFFFFFF  }
0xca: {  	_ =	task.clear_ibuf [dreg:s12], $0x2FFFF;
	_ =	strace $0x9FFFFFFF  }
0xcb: {  	(tm) =	ssettm $0x7FFFFFFF  }
tec
execute0_lowered:
.L_overlay_start_1:
0x0: {  	(tag) =	ssettag $0x1  }
0x1: {  	s0 =	rddreg [dreg:$0x0]  }
0x2: {  	s2 =	rddreg [dreg:$0x1]  }
0x3: {  	s5 =	rddreg [dreg:$0x2]  }
0x4: {  	s3 =	srdreg.scid;
	s1 =	rddreg [dreg:$0x3]  }
0x5: {  	s9 =	stileid.u32;
	s7 =	rddreg [dreg:$0x5];
	s14 =	simm.s32 $0xAB00  }
0x6: {  	s15 =	simm.s32 $0xB700;
	s17 =	simm.s32 $0xF300;
	s18 =	simm.s32 $0xFF00  }
0x7: {  	s13 =	simm.s32 $0xD300;
	s12 =	simm.s32 $0xDF00;
	s16 =	simm.s32 $0xEB00  }
0x8: {  	s19 =	simm.s32 $0xF700;
	s20 =	simm.s32 $0x10300;
	s29 =	simm.s32 $0xFB00  }
0x9: {  	s6 =	sand.u32 $0x1, s3;
	s4 =	sshll.u32 s9, $0x1;
	s9 =	smul.u32 $0x3200, s9  }
0xa: {  	s4 =	sor.u32 s6, s4;
	s10 =	ssub.s32 $0x2, s6;
	s6 =	smul.u32 $0x1900, s6  }
0xb: {  	s3 =	rddreg [dreg:$0x4];
	s8 =	smul.u32 $0x1900, s4;
	s4 =	simm.s32 $0x0  }
0xc: {  	s30 =	simm.s32 $0x10700;
	s11 =	sshrl.u32 s10, $0x1;
	[smem:$0x7FF] =	sst s4  }
0xd: {  	s10 =	ssub.s32 s10, s11;
	s6 =	sadd.s32 s6, s9;
	_ =	strace $0x80000047  }
0xe: {  	s8 =	sshrl.u32 s8, $0x3;
	s21 =	sshrl.u32 s6, $0x3;
	s9 =	sor.u32 $0x40, s6  }
0xf: {  	s22 =	sor.u32 $0xC0, s6;
	s6 =	sor.u32 $0x80, s6;
	s24 =	smax.u32 s10, $0x1  }
0x10: {  	s10 =	simm.s32 $0xBB00;
	s0 =	sadd.s32 s0, s8;
	s9 =	sshrl.u32 s9, $0x3  }
0x11: {  	s11 =	sshrl.u32 s22, $0x3;
	s2 =	sadd.s32 s2, s8;
	s6 =	sshrl.u32 s6, $0x3  }
0x12: {  	s5 =	sadd.s32 s5, s8;
	[dreg:$0x7] =	wrdreg s0;
	s0 =	smul.u32 $0x180, s21  }
0x13: {  	[dreg:$0xa] =	wrdreg s24;
	s8 =	simm.s32 $0xE700;
	s9 =	smul.u32 $0x180, s9  }
0x14: {  	s24 =	simm.s32 $0xCB00;
	[dreg:$0x8] =	wrdreg s2;
	s23 =	smul.u32 $0x180, s11  }
0x15: {  	s22 =	simm.s32 $0xE300;
	[dreg:$0x9] =	wrdreg s5;
	s25 =	smul.u32 $0x180, s6  }
0x16: {  	s5 =	simm.s32 $0xC300;
	s6 =	simm.s32 $0xCF00;
	s11 =	simm.s32 $0xC700  }
.Ltmp0:
0x17: {  	s21 =	simm.s32 $0xB300;
	s0 =	sadd.s32 s0, s7;
	(pc) =	sbr.rel .LBB2_1-.Ltmp0, $4  }
0x18: {  	s26 =	sadd.s32 s9, s7;
	s28 =	sadd.s32 s23, s7;
	[dreg:$0xb] =	wrdreg s0  }
0x19: {  	v2 =	vlaneseq.u32;
	s31 =	sadd.s32 s25, s7;
	s7 =	simm.s32 $0xDB00;
	[dreg:$0xc] =	wrdreg s26  }
0x1a: {  	vm0 =	vmmov $0xff;
	v1 =	vshrl.u32 v2, $0x3;
	s9 =	simm.s32 $0xAF00;
	s23 =	simm.s32 $0xBF00;
	[dreg:$0xd] =	wrdreg s28  }
0x1b: {  	v0 =	vand.u32 $0x7, v2;
	v2 =	vor.u32 $0x8, v2;
	v1 =	vmul.u32 $0x8, v1;
	s25 =	simm.s32 $0xD700;
	[dreg:$0xe] =	wrdreg s31;
	s26 =	simm.s32 $0x0  }
.LBB2_6:
0x1c: {  	_ =	strace $0x9000004F;
	s0 =	simm.s32 $0xF  }
0x1d: {  	_ =	swait.ge [sflag:s0], $0x2000  }
0x1e: {  	[sflag:s0] =	ssyncset.done $0x0  }
0x1f: {  	[sflag:s0] =	ssyncadd.s32 $0xFFFFE000  }
0x20: {  	_ =	swait.ge [sflag:s0], $0x2000  }
0x21: {  	[sflag:s0] =	ssyncset.done $0x0  }
0x22: {  	[sflag:s0] =	ssyncadd.s32 $0xFFFFE000  }
0x23: {  	_ =	swait.ge [sflag:s0], $0x2000  }
0x24: {  	[sflag:s0] =	ssyncset.done $0x0  }
0x25: {  	s2 =	simm.s32 $0x10;
	[sflag:s0] =	ssyncadd.s32 $0xFFFFE000  }
0x26: {  	_ =	swait.ge [sflag:s2], $0x2000  }
0x27: {  	[sflag:s2] =	ssyncset.done $0x0  }
0x28: {  	[sflag:s2] =	ssyncadd.s32 $0xFFFFE000  }
0x29: {  	_ =	swait.ge [sflag:s2], $0x2000  }
0x2a: {  	[sflag:s2] =	ssyncset.done $0x0  }
0x2b: {  	[sflag:s2] =	ssyncadd.s32 $0xFFFFE000  }
0x2c: {  	_ =	swait.ge [sflag:s2], $0x2000  }
0x2d: {  	s26 =	rddreg [dreg:$0xf]  }
0x2e: {  	s31 =	rddreg [dreg:$0xa];
	s26 =	sadd.s32 $0x1, s26  }
0x2f: {  	p0 =	sne.s32 s26, s31  }
.Ltmp1:
0x30: {  	_ = 	snop;
	(pc) =	sbr.rel @!p0 .LBB2_7-.Ltmp1, $3  }
0x31: {  	_ =	sdelay $0x1  }
0x32: {  	[sflag:s2] =	ssyncset.done $0x0  }
0x33: {  	s29 =	simm.s32 $0xFB00;
	s30 =	simm.s32 $0x10700;
	[sflag:s2] =	ssyncadd.s32 $0xFFFFE000  }
.LBB2_1:
0x34: {  	[dreg:$0xf] =	wrdreg s26  }
0x35: {  	s0 =	rddreg [dreg:$0x7];
	s2 =	simm.s32 $0x11  }
0x36: {  	[tilespmem:s4], [sflag:$0x11] =	stream.linear.gather [hbm4b:s0+s4], $0x1900, $0x38;
	[tilespmem:$0x1CB00] =	vst v63  }
0x37: {  	_ =	swait.ge [sflag:s2], $0x1900  }
0x38: {  	[sflag:s2] =	ssyncset.done $0x0  }
0x39: {  	s28 =	simm.s32 $0x1900;
	s26 =	rddreg [dreg:$0x8];
	[sflag:s2] =	ssyncadd.s32 $0xFFFFE700  }
0x3a: {  	[tilespmem:s28], [sflag:$0x11] =	stream.linear.gather [hbm4b:s26+s4], $0x1900, $0x38;
	[tilespmem:$0x1CB00] =	vst v63  }
0x3b: {  	_ =	swait.ge [sflag:s2], $0x1900  }
0x3c: {  	[sflag:s2] =	ssyncset.done $0x0  }
0x3d: {  	s28 =	simm.s32 $0x3200;
	s26 =	rddreg [dreg:$0x9];
	[sflag:s2] =	ssyncadd.s32 $0xFFFFE700  }
0x3e: {  	[tilespmem:s28], [sflag:$0x11] =	stream.linear.gather [hbm4b:s26+s4], $0x1900, $0x38;
	[tilespmem:$0x1CB00] =	vst v63  }
0x3f: {  	_ =	swait.ge [sflag:s2], $0x1900  }
0x40: {  	[sflag:s2] =	ssyncset.done $0x0  }
0x41: {  	[sflag:s2] =	ssyncadd.s32 $0xFFFFE700  }
0x42: {  	v3 =	vld [tilespmem:$0x0];
	_ =	sdelay $0x4  }
0x43: {  	v4 =	vperm.xlane v3, v0;
	_ =	sdelay $0x1  }
0x44: {  	v3 =	vperm.xlane v3, v2;
	v4 =	vadd.s32 v1, v4;
	_ =	sdelay $0x1  }
0x45: {  	v3 =	vadd.s32 v1, v3;
	_ =	sdelay $0x1  }
0x46: {  	s26 =	simm.s32 $0x4B00  }
0x47: {  	[tilespmem:s26], [sflag:$0x1] =	stream.indirect_vreg.gather [hbm4b:s1+s4], $0x80, v4, vm0, $0xb8;
	[tilespmem:$0x1CB00] =	vst v63  }
0x48: {  	s2 =	simm.s32 $0x5700  }
0x49: {  	[tilespmem:s2], [sflag:$0x1] =	stream.indirect_vreg.gather [hbm4b:s1+s4], $0x80, v3, vm0, $0xb8;
	[tilespmem:$0x1CB00] =	vst v63  }
0x4a: {  	v3 =	vld [tilespmem:$0x10];
	_ =	sdelay $0x4  }
0x4b: {  	v41 =	vperm.xlane v3, v0;
	_ =	sdelay $0x1  }
0x4c: {  	v3 =	vperm.xlane v3, v2;
	v4 =	vadd.s32 v1, v41;
	_ =	sdelay $0x1  }
0x4d: {  	v3 =	vadd.s32 v1, v3;
	_ =	sdelay $0x1  }
0x4e: {  	s26 =	simm.s32 $0x6300  }
0x4f: {  	[tilespmem:s26], [sflag:$0x1] =	stream.indirect_vreg.gather [hbm4b:s1+s4], $0x80, v4, vm0, $0xb8;
	[tilespmem:$0x1CB00] =	vst v63  }
0x50: {  	s2 =	simm.s32 $0x6F00  }
0x51: {  	[tilespmem:s2], [sflag:$0x1] =	stream.indirect_vreg.gather [hbm4b:s1+s4], $0x80, v3, vm0, $0xb8;
	[tilespmem:$0x1CB00] =	vst v63  }
0x52: {  	v3 =	vld [tilespmem:$0x20];
	_ =	sdelay $0x4  }
0x53: {  	v42 =	vperm.xlane v3, v0;
	_ =	sdelay $0x1  }
0x54: {  	v3 =	vperm.xlane v3, v2;
	v4 =	vadd.s32 v1, v42;
	_ =	sdelay $0x1  }
0x55: {  	v3 =	vadd.s32 v1, v3;
	_ =	sdelay $0x1  }
0x56: {  	s26 =	simm.s32 $0x7B00  }
0x57: {  	[tilespmem:s26], [sflag:$0x1] =	stream.indirect_vreg.gather [hbm4b:s1+s4], $0x80, v4, vm0, $0xb8;
	[tilespmem:$0x1CB00] =	vst v63  }
0x58: {  	s2 =	simm.s32 $0x8700  }
0x59: {  	[tilespmem:s2], [sflag:$0x1] =	stream.indirect_vreg.gather [hbm4b:s1+s4], $0x80, v3, vm0, $0xb8;
	[tilespmem:$0x1CB00] =	vst v63  }
0x5a: {  	v3 =	vld [tilespmem:$0x30];
	_ =	sdelay $0x4  }
0x5b: {  	v43 =	vperm.xlane v3, v0;
	_ =	sdelay $0x1  }
0x5c: {  	v3 =	vperm.xlane v3, v2;
	v4 =	vadd.s32 v1, v43;
	_ =	sdelay $0x1  }
0x5d: {  	v3 =	vadd.s32 v1, v3;
	_ =	sdelay $0x1  }
0x5e: {  	s26 =	simm.s32 $0x9300  }
0x5f: {  	[tilespmem:s26], [sflag:$0x1] =	stream.indirect_vreg.gather [hbm4b:s1+s4], $0x80, v4, vm0, $0xb8;
	[tilespmem:$0x1CB00] =	vst v63  }
0x60: {  	s2 =	simm.s32 $0x9F00  }
0x61: {  	[tilespmem:s2], [sflag:$0x1] =	stream.indirect_vreg.gather [hbm4b:s1+s4], $0x80, v3, vm0, $0xb8;
	[tilespmem:$0x1CB00] =	vst v63  }
0x62: {  	v3 =	vld [tilespmem:$0x1900];
	_ =	sdelay $0x4  }
0x63: {  	v44 =	vperm.xlane v3, v0;
	_ =	sdelay $0x1  }
0x64: {  	v3 =	vperm.xlane v3, v2;
	v4 =	vadd.s32 v1, v44;
	_ =	sdelay $0x1  }
0x65: {  	v3 =	vadd.s32 v1, v3;
	_ =	sdelay $0x1  }
0x66: {  	s26 =	simm.s32 $0x4F00  }
0x67: {  	[tilespmem:s26], [sflag:$0x2] =	stream.indirect_vreg.gather [hbm4b:s3+s4], $0x80, v4, vm0, $0xb8;
	[tilespmem:$0x1CB00] =	vst v63  }
0x68: {  	s2 =	simm.s32 $0x5B00  }
0x69: {  	[tilespmem:s2], [sflag:$0x2] =	stream.indirect_vreg.gather [hbm4b:s3+s4], $0x80, v3, vm0, $0xb8;
	[tilespmem:$0x1CB00] =	vst v63  }
0x6a: {  	v3 =	vld [tilespmem:$0x1910];
	_ =	sdelay $0x4  }
0x6b: {  	v45 =	vperm.xlane v3, v0;
	_ =	sdelay $0x1  }
0x6c: {  	v3 =	vperm.xlane v3, v2;
	v4 =	vadd.s32 v1, v45;
	_ =	sdelay $0x1  }
0x6d: {  	v3 =	vadd.s32 v1, v3;
	_ =	sdelay $0x1  }
0x6e: {  	s26 =	simm.s32 $0x6700  }
0x6f: {  	[tilespmem:s26], [sflag:$0x2] =	stream.indirect_vreg.gather [hbm4b:s3+s4], $0x80, v4, vm0, $0xb8;
	[tilespmem:$0x1CB00] =	vst v63  }
0x70: {  	s2 =	simm.s32 $0x7300  }
0x71: {  	[tilespmem:s2], [sflag:$0x2] =	stream.indirect_vreg.gather [hbm4b:s3+s4], $0x80, v3, vm0, $0xb8;
	[tilespmem:$0x1CB00] =	vst v63  }
0x72: {  	v3 =	vld [tilespmem:$0x1920];
	_ =	sdelay $0x4  }
0x73: {  	v46 =	vperm.xlane v3, v0;
	_ =	sdelay $0x1  }
0x74: {  	v3 =	vperm.xlane v3, v2;
	v4 =	vadd.s32 v1, v46;
	_ =	sdelay $0x1  }
0x75: {  	v3 =	vadd.s32 v1, v3;
	_ =	sdelay $0x1  }
0x76: {  	s26 =	simm.s32 $0x7F00  }
0x77: {  	[tilespmem:s26], [sflag:$0x2] =	stream.indirect_vreg.gather [hbm4b:s3+s4], $0x80, v4, vm0, $0xb8;
	[tilespmem:$0x1CB00] =	vst v63  }
0x78: {  	s2 =	simm.s32 $0x8B00  }
0x79: {  	[tilespmem:s2], [sflag:$0x2] =	stream.indirect_vreg.gather [hbm4b:s3+s4], $0x80, v3, vm0, $0xb8;
	[tilespmem:$0x1CB00] =	vst v63  }
0x7a: {  	v3 =	vld [tilespmem:$0x1930];
	_ =	sdelay $0x4  }
0x7b: {  	v47 =	vperm.xlane v3, v0;
	_ =	sdelay $0x1  }
0x7c: {  	v3 =	vperm.xlane v3, v2;
	v4 =	vadd.s32 v1, v47;
	_ =	sdelay $0x1  }
0x7d: {  	v3 =	vadd.s32 v1, v3;
	_ =	sdelay $0x1  }
0x7e: {  	s26 =	simm.s32 $0x9700  }
0x7f: {  	[tilespmem:s26], [sflag:$0x2] =	stream.indirect_vreg.gather [hbm4b:s3+s4], $0x80, v4, vm0, $0xb8;
	[tilespmem:$0x1CB00] =	vst v63  }
0x80: {  	s2 =	simm.s32 $0xA300  }
0x81: {  	[tilespmem:s2], [sflag:$0x2] =	stream.indirect_vreg.gather [hbm4b:s3+s4], $0x80, v3, vm0, $0xb8;
	[tilespmem:$0x1CB00] =	vst v63  }
0x82: {  	v3 =	vld [tilespmem:$0x3200];
	_ =	sdelay $0x4  }
0x83: {  	v48 =	vperm.xlane v3, v0;
	_ =	sdelay $0x1  }
0x84: {  	v3 =	vperm.xlane v3, v2;
	v4 =	vadd.s32 v1, v48;
	_ =	sdelay $0x1  }
0x85: {  	v3 =	vadd.s32 v1, v3;
	_ =	sdelay $0x1  }
0x86: {  	s26 =	simm.s32 $0x5300  }
0x87: {  	[tilespmem:s26], [sflag:$0x3] =	stream.indirect_vreg.gather [hbm4b:s1+s4], $0x80, v4, vm0, $0xb8;
	[tilespmem:$0x1CB00] =	vst v63  }
0x88: {  	s2 =	simm.s32 $0x5F00  }
0x89: {  	[tilespmem:s2], [sflag:$0x3] =	stream.indirect_vreg.gather [hbm4b:s1+s4], $0x80, v3, vm0, $0xb8;
	[tilespmem:$0x1CB00] =	vst v63  }
0x8a: {  	v3 =	vld [tilespmem:$0x3210];
	_ =	sdelay $0x4  }
0x8b: {  	v49 =	vperm.xlane v3, v0;
	_ =	sdelay $0x1  }
0x8c: {  	v3 =	vperm.xlane v3, v2;
	v4 =	vadd.s32 v1, v49;
	_ =	sdelay $0x1  }
0x8d: {  	v3 =	vadd.s32 v1, v3;
	_ =	sdelay $0x1  }
0x8e: {  	s26 =	simm.s32 $0x6B00  }
0x8f: {  	[tilespmem:s26], [sflag:$0x3] =	stream.indirect_vreg.gather [hbm4b:s1+s4], $0x80, v4, vm0, $0xb8;
	[tilespmem:$0x1CB00] =	vst v63  }
0x90: {  	s2 =	simm.s32 $0x7700  }
0x91: {  	[tilespmem:s2], [sflag:$0x3] =	stream.indirect_vreg.gather [hbm4b:s1+s4], $0x80, v3, vm0, $0xb8;
	[tilespmem:$0x1CB00] =	vst v63  }
0x92: {  	v3 =	vld [tilespmem:$0x3220];
	_ =	sdelay $0x4  }
0x93: {  	v50 =	vperm.xlane v3, v0;
	_ =	sdelay $0x1  }
0x94: {  	v3 =	vperm.xlane v3, v2;
	v4 =	vadd.s32 v1, v50;
	_ =	sdelay $0x1  }
0x95: {  	v3 =	vadd.s32 v1, v3;
	_ =	sdelay $0x1  }
0x96: {  	s26 =	simm.s32 $0x8300  }
0x97: {  	[tilespmem:s26], [sflag:$0x3] =	stream.indirect_vreg.gather [hbm4b:s1+s4], $0x80, v4, vm0, $0xb8;
	[tilespmem:$0x1CB00] =	vst v63  }
0x98: {  	s2 =	simm.s32 $0x8F00  }
0x99: {  	[tilespmem:s2], [sflag:$0x3] =	stream.indirect_vreg.gather [hbm4b:s1+s4], $0x80, v3, vm0, $0xb8;
	[tilespmem:$0x1CB00] =	vst v63  }
0x9a: {  	v3 =	vld [tilespmem:$0x3230];
	_ =	sdelay $0x4  }
0x9b: {  	v51 =	vperm.xlane v3, v0;
	_ =	sdelay $0x1  }
0x9c: {  	v3 =	vperm.xlane v3, v2;
	v4 =	vadd.s32 v1, v51;
	_ =	sdelay $0x1  }
0x9d: {  	v3 =	vadd.s32 v1, v3;
	_ =	sdelay $0x1  }
0x9e: {  	s26 =	simm.s32 $0x9B00  }
0x9f: {  	[tilespmem:s26], [sflag:$0x3] =	stream.indirect_vreg.gather [hbm4b:s1+s4], $0x80, v4, vm0, $0xb8;
	[tilespmem:$0x1CB00] =	vst v63  }
0xa0: {  	s2 =	simm.s32 $0xA700  }
0xa1: {  	[tilespmem:s2], [sflag:$0x3] =	stream.indirect_vreg.gather [hbm4b:s1+s4], $0x80, v3, vm0, $0xb8;
	[tilespmem:$0x1CB00] =	vst v63  }
0xa2: {  	v3 =	vld [tilespmem:$0x40];
	_ =	sdelay $0x4  }
0xa3: {  	v52 =	vperm.xlane v3, v0;
	_ =	sdelay $0x1  }
0xa4: {  	v3 =	vperm.xlane v3, v2;
	v4 =	vadd.s32 v1, v52;
	_ =	sdelay $0x1  }
0xa5: {  	v3 =	vadd.s32 v1, v3;
	_ =	sdelay $0x2  }
0xa6: {  	[tilespmem:s14], [sflag:$0x4] =	stream.indirect_vreg.gather [hbm4b:s1+s4], $0x80, v4, vm0, $0xb8;
	[tilespmem:$0x1CB00] =	vst v63  }
0xa7: {  	_ = 	snop  }
0xa8: {  	[tilespmem:s15], [sflag:$0x4] =	stream.indirect_vreg.gather [hbm4b:s1+s4], $0x80, v3, vm0, $0xb8;
	[tilespmem:$0x1CB00] =	vst v63  }
0xa9: {  	v3 =	vld [tilespmem:$0x50];
	_ =	sdelay $0x4  }
0xaa: {  	v53 =	vperm.xlane v3, v0;
	_ =	sdelay $0x1  }
0xab: {  	v3 =	vperm.xlane v3, v2;
	v4 =	vadd.s32 v1, v53;
	_ =	sdelay $0x1  }
0xac: {  	v3 =	vadd.s32 v1, v3;
	_ =	sdelay $0x2  }
0xad: {  	[tilespmem:s5], [sflag:$0x4] =	stream.indirect_vreg.gather [hbm4b:s1+s4], $0x80, v4, vm0, $0xb8;
	[tilespmem:$0x1CB00] =	vst v63  }
0xae: {  	_ = 	snop  }
0xaf: {  	[tilespmem:s6], [sflag:$0x4] =	stream.indirect_vreg.gather [hbm4b:s1+s4], $0x80, v3, vm0, $0xb8;
	[tilespmem:$0x1CB00] =	vst v63  }
0xb0: {  	v3 =	vld [tilespmem:$0x60];
	_ =	sdelay $0x4  }
0xb1: {  	v54 =	vperm.xlane v3, v0;
	_ =	sdelay $0x1  }
0xb2: {  	v3 =	vperm.xlane v3, v2;
	v4 =	vadd.s32 v1, v54;
	_ =	sdelay $0x1  }
0xb3: {  	v3 =	vadd.s32 v1, v3;
	_ =	sdelay $0x2  }
0xb4: {  	[tilespmem:s7], [sflag:$0x4] =	stream.indirect_vreg.gather [hbm4b:s1+s4], $0x80, v4, vm0, $0xb8;
	[tilespmem:$0x1CB00] =	vst v63  }
0xb5: {  	_ = 	snop  }
0xb6: {  	[tilespmem:s8], [sflag:$0x4] =	stream.indirect_vreg.gather [hbm4b:s1+s4], $0x80, v3, vm0, $0xb8;
	[tilespmem:$0x1CB00] =	vst v63  }
0xb7: {  	v3 =	vld [tilespmem:$0x70];
	_ =	sdelay $0x4  }
0xb8: {  	v55 =	vperm.xlane v3, v0;
	_ =	sdelay $0x1  }
0xb9: {  	v3 =	vperm.xlane v3, v2;
	v4 =	vadd.s32 v1, v55;
	_ =	sdelay $0x1  }
0xba: {  	v3 =	vadd.s32 v1, v3;
	_ =	sdelay $0x2  }
0xbb: {  	[tilespmem:s17], [sflag:$0x4] =	stream.indirect_vreg.gather [hbm4b:s1+s4], $0x80, v4, vm0, $0xb8;
	[tilespmem:$0x1CB00] =	vst v63  }
0xbc: {  	_ = 	snop  }
0xbd: {  	[tilespmem:s18], [sflag:$0x4] =	stream.indirect_vreg.gather [hbm4b:s1+s4], $0x80, v3, vm0, $0xb8;
	[tilespmem:$0x1CB00] =	vst v63  }
0xbe: {  	v3 =	vld [tilespmem:$0x1940];
	_ =	sdelay $0x4  }
0xbf: {  	v56 =	vperm.xlane v3, v0;
	_ =	sdelay $0x1  }
0xc0: {  	v3 =	vperm.xlane v3, v2;
	v4 =	vadd.s32 v1, v56;
	_ =	sdelay $0x1  }
0xc1: {  	v3 =	vadd.s32 v1, v3;
	_ =	sdelay $0x2  }
0xc2: {  	[tilespmem:s9], [sflag:$0x5] =	stream.indirect_vreg.gather [hbm4b:s3+s4], $0x80, v4, vm0, $0xb8;
	[tilespmem:$0x1CB00] =	vst v63  }
0xc3: {  	_ = 	snop  }
0xc4: {  	[tilespmem:s10], [sflag:$0x5] =	stream.indirect_vreg.gather [hbm4b:s3+s4], $0x80, v3, vm0, $0xb8;
	[tilespmem:$0x1CB00] =	vst v63  }
0xc5: {  	v3 =	vld [tilespmem:$0x1950];
	_ =	sdelay $0x4  }
0xc6: {  	v57 =	vperm.xlane v3, v0;
	_ =	sdelay $0x1  }
0xc7: {  	v3 =	vperm.xlane v3, v2;
	v4 =	vadd.s32 v1, v57;
	_ =	sdelay $0x1  }
0xc8: {  	v3 =	vadd.s32 v1, v3;
	_ =	sdelay $0x2  }
0xc9: {  	[tilespmem:s11], [sflag:$0x5] =	stream.indirect_vreg.gather [hbm4b:s3+s4], $0x80, v4, vm0, $0xb8;
	[tilespmem:$0x1CB00] =	vst v63  }
0xca: {  	_ = 	snop  }
0xcb: {  	[tilespmem:s13], [sflag:$0x5] =	stream.indirect_vreg.gather [hbm4b:s3+s4], $0x80, v3, vm0, $0xb8;
	[tilespmem:$0x1CB00] =	vst v63  }
0xcc: {  	v3 =	vld [tilespmem:$0x1960];
	_ =	sdelay $0x4  }
0xcd: {  	v58 =	vperm.xlane v3, v0;
	_ =	sdelay $0x1  }
0xce: {  	v3 =	vperm.xlane v3, v2;
	v4 =	vadd.s32 v1, v58;
	_ =	sdelay $0x1  }
0xcf: {  	v3 =	vadd.s32 v1, v3;
	_ =	sdelay $0x2  }
0xd0: {  	[tilespmem:s12], [sflag:$0x5] =	stream.indirect_vreg.gather [hbm4b:s3+s4], $0x80, v4, vm0, $0xb8;
	[tilespmem:$0x1CB00] =	vst v63  }
0xd1: {  	_ = 	snop  }
0xd2: {  	[tilespmem:s16], [sflag:$0x5] =	stream.indirect_vreg.gather [hbm4b:s3+s4], $0x80, v3, vm0, $0xb8;
	[tilespmem:$0x1CB00] =	vst v63  }
0xd3: {  	v3 =	vld [tilespmem:$0x1970];
	_ =	sdelay $0x4  }
0xd4: {  	v59 =	vperm.xlane v3, v0;
	_ =	sdelay $0x1  }
0xd5: {  	v3 =	vperm.xlane v3, v2;
	v4 =	vadd.s32 v1, v59;
	_ =	sdelay $0x1  }
0xd6: {  	v3 =	vadd.s32 v1, v3;
	_ =	sdelay $0x2  }
0xd7: {  	[tilespmem:s19], [sflag:$0x5] =	stream.indirect_vreg.gather [hbm4b:s3+s4], $0x80, v4, vm0, $0xb8;
	[tilespmem:$0x1CB00] =	vst v63  }
0xd8: {  	_ = 	snop  }
0xd9: {  	[tilespmem:s20], [sflag:$0x5] =	stream.indirect_vreg.gather [hbm4b:s3+s4], $0x80, v3, vm0, $0xb8;
	[tilespmem:$0x1CB00] =	vst v63  }
0xda: {  	v3 =	vld [tilespmem:$0x3240];
	_ =	sdelay $0x4  }
0xdb: {  	v60 =	vperm.xlane v3, v0;
	_ =	sdelay $0x1  }
0xdc: {  	v3 =	vperm.xlane v3, v2;
	v4 =	vadd.s32 v1, v60;
	_ =	sdelay $0x1  }
0xdd: {  	v3 =	vadd.s32 v1, v3;
	_ =	sdelay $0x2  }
0xde: {  	[tilespmem:s21], [sflag:$0x6] =	stream.indirect_vreg.gather [hbm4b:s1+s4], $0x80, v4, vm0, $0xb8;
	[tilespmem:$0x1CB00] =	vst v63  }
0xdf: {  	_ = 	snop  }
0xe0: {  	[tilespmem:s23], [sflag:$0x6] =	stream.indirect_vreg.gather [hbm4b:s1+s4], $0x80, v3, vm0, $0xb8;
	[tilespmem:$0x1CB00] =	vst v63  }
0xe1: {  	v3 =	vld [tilespmem:$0x3250];
	_ =	sdelay $0x4  }
0xe2: {  	v61 =	vperm.xlane v3, v0;
	_ =	sdelay $0x1  }
0xe3: {  	v3 =	vperm.xlane v3, v2;
	v4 =	vadd.s32 v1, v61;
	_ =	sdelay $0x1  }
0xe4: {  	v3 =	vadd.s32 v1, v3;
	_ =	sdelay $0x2  }
0xe5: {  	[tilespmem:s24], [sflag:$0x6] =	stream.indirect_vreg.gather [hbm4b:s1+s4], $0x80, v4, vm0, $0xb8;
	[tilespmem:$0x1CB00] =	vst v63  }
0xe6: {  	_ = 	snop  }
0xe7: {  	[tilespmem:s25], [sflag:$0x6] =	stream.indirect_vreg.gather [hbm4b:s1+s4], $0x80, v3, vm0, $0xb8;
	[tilespmem:$0x1CB00] =	vst v63  }
0xe8: {  	v3 =	vld [tilespmem:$0x3260];
	_ =	sdelay $0x4  }
0xe9: {  	v62 =	vperm.xlane v3, v0;
	_ =	sdelay $0x1  }
0xea: {  	v3 =	vperm.xlane v3, v2;
	v4 =	vadd.s32 v1, v62;
	_ =	sdelay $0x1  }
0xeb: {  	v3 =	vadd.s32 v1, v3;
	_ =	sdelay $0x2  }
0xec: {  	[tilespmem:s22], [sflag:$0x6] =	stream.indirect_vreg.gather [hbm4b:s1+s4], $0x80, v4, vm0, $0xb8;
	[tilespmem:$0x1CB00] =	vst v63  }
0xed: {  	s26 =	simm.s32 $0xEF00  }
0xee: {  	[tilespmem:s26], [sflag:$0x6] =	stream.indirect_vreg.gather [hbm4b:s1+s4], $0x80, v3, vm0, $0xb8;
	[tilespmem:$0x1CB00] =	vst v63  }
0xef: {  	v3 =	vld [tilespmem:$0x3270];
	_ =	sdelay $0x4  }
0xf0: {  	s31 =	simm.s32 $0x0;
	v63 =	vperm.xlane v3, v0  }
0xf1: {  	s28 =	simm.s32 $0xC0;
	s15 =	simm.s32 $0xAB00;
	s5 =	simm.s32 $0xB700  }
0xf2: {  	s6 =	simm.s32 $0xC300;
	s7 =	simm.s32 $0xCF00;
	s8 =	simm.s32 $0xDB00;
	v3 =	vperm.xlane v3, v2;
	v4 =	vadd.s32 v1, v63  }
0xf3: {  	s17 =	simm.s32 $0xE700;
	s18 =	simm.s32 $0xF300;
	s9 =	simm.s32 $0xFF00  }
0xf4: {  	s10 =	simm.s32 $0xAF00;
	s11 =	simm.s32 $0xBB00;
	s13 =	simm.s32 $0xC700;
	v3 =	vadd.s32 v1, v3  }
0xf5: {  	s12 =	simm.s32 $0xD300;
	s16 =	simm.s32 $0xDF00;
	s19 =	simm.s32 $0xEB00  }
0xf6: {  	s20 =	simm.s32 $0xF700;
	s21 =	simm.s32 $0x10300;
	s23 =	simm.s32 $0xB300  }
0xf7: {  	[tilespmem:s29], [sflag:$0x6] =	stream.indirect_vreg.gather [hbm4b:s1+s4], $0x80, v4, vm0, $0xb8;
	[tilespmem:$0x1CB00] =	vst v63  }
0xf8: {  	s24 =	simm.s32 $0xBF00;
	s25 =	simm.s32 $0xCB00;
	s22 =	simm.s32 $0x10700  }
0xf9: {  	[tilespmem:s30], [sflag:$0x6] =	stream.indirect_vreg.gather [hbm4b:s1+s4], $0x80, v3, vm0, $0xb8;
	[tilespmem:$0x1CB00] =	vst v63  }
0xfa: {  	s26 =	simm.s32 $0xFB00;
	s29 =	simm.s32 $0x19C0;
	s30 =	simm.s32 $0x32C0  }
.LBB2_2:
0xfb: {  	s0 =	simm.s32 $0x1  }
0xfc: {  	_ =	swait.ge [sflag:s0], $0x2000  }
0xfd: {  	[sflag:s0] =	ssyncset.done $0x0;
	s2 =	rddreg [dreg:$0xb]  }
0xfe: {  	s14 =	simm.s32 $0x4B00;
	[sflag:s0] =	ssyncadd.s32 $0xFFFFE000;
	s2 =	sadd.s32 s31, s2  }
0xff: {  	[hbm4b:s2+s4] =	stream.linear.scatter [tilespmem:s14], [sflag:$0xD], $0x400, $0x38;
	[tilespmem:$0x1CB00] =	vst v63  }
0x100: {  	s0 =	sadd.s32 $0x180, s2;
	s14 =	simm.s32 $0x5700  }
0x101: {  	[hbm4b:s0+s4] =	stream.linear.scatter [tilespmem:s14], [sflag:$0xD], $0x400, $0x38;
	[tilespmem:$0x1CB00] =	vst v63  }
0x102: {  	s0 =	sadd.s32 $0x300, s2;
	s14 =	simm.s32 $0x6300  }
0x103: {  	[hbm4b:s0+s4] =	stream.linear.scatter [tilespmem:s14], [sflag:$0xD], $0x400, $0x38;
	[tilespmem:$0x1CB00] =	vst v63  }
0x104: {  	s0 =	sadd.s32 $0x480, s2;
	s14 =	simm.s32 $0x6F00  }
0x105: {  	[hbm4b:s0+s4] =	stream.linear.scatter [tilespmem:s14], [sflag:$0xD], $0x400, $0x38;
	[tilespmem:$0x1CB00] =	vst v63  }
0x106: {  	s0 =	sadd.s32 $0x600, s2;
	s14 =	simm.s32 $0x7B00  }
0x107: {  	[hbm4b:s0+s4] =	stream.linear.scatter [tilespmem:s14], [sflag:$0xD], $0x400, $0x38;
	[tilespmem:$0x1CB00] =	vst v63  }
0x108: {  	s0 =	sadd.s32 $0x780, s2;
	s14 =	simm.s32 $0x8700  }
0x109: {  	[hbm4b:s0+s4] =	stream.linear.scatter [tilespmem:s14], [sflag:$0xD], $0x400, $0x38;
	[tilespmem:$0x1CB00] =	vst v63  }
0x10a: {  	s0 =	sadd.s32 $0x900, s2;
	s14 =	simm.s32 $0x9300  }
0x10b: {  	[hbm4b:s0+s4] =	stream.linear.scatter [tilespmem:s14], [sflag:$0xD], $0x400, $0x38;
	[tilespmem:$0x1CB00] =	vst v63  }
0x10c: {  	s0 =	sadd.s32 $0xA80, s2;
	s14 =	simm.s32 $0x9F00  }
0x10d: {  	[hbm4b:s0+s4] =	stream.linear.scatter [tilespmem:s14], [sflag:$0xD], $0x400, $0x38;
	[tilespmem:$0x1CB00] =	vst v63  }
0x10e: {  	s14 =	simm.s32 $0x2  }
0x10f: {  	_ =	swait.ge [sflag:s14], $0x2000  }
0x110: {  	[sflag:s14] =	ssyncset.done $0x0  }
0x111: {  	s0 =	sadd.s32 $0x80, s2;
	[sflag:s14] =	ssyncadd.s32 $0xFFFFE000;
	s14 =	simm.s32 $0x4F00  }
0x112: {  	[hbm4b:s0+s4] =	stream.linear.scatter [tilespmem:s14], [sflag:$0xD], $0x400, $0x38;
	[tilespmem:$0x1CB00] =	vst v63  }
0x113: {  	s0 =	sadd.s32 $0x200, s2;
	s14 =	simm.s32 $0x5B00  }
0x114: {  	[hbm4b:s0+s4] =	stream.linear.scatter [tilespmem:s14], [sflag:$0xD], $0x400, $0x38;
	[tilespmem:$0x1CB00] =	vst v63  }
0x115: {  	s0 =	sadd.s32 $0x380, s2;
	s14 =	simm.s32 $0x6700  }
0x116: {  	[hbm4b:s0+s4] =	stream.linear.scatter [tilespmem:s14], [sflag:$0xD], $0x400, $0x38;
	[tilespmem:$0x1CB00] =	vst v63  }
0x117: {  	s0 =	sadd.s32 $0x500, s2;
	s14 =	simm.s32 $0x7300  }
0x118: {  	[hbm4b:s0+s4] =	stream.linear.scatter [tilespmem:s14], [sflag:$0xD], $0x400, $0x38;
	[tilespmem:$0x1CB00] =	vst v63  }
0x119: {  	s0 =	sadd.s32 $0x680, s2;
	s14 =	simm.s32 $0x7F00  }
0x11a: {  	[hbm4b:s0+s4] =	stream.linear.scatter [tilespmem:s14], [sflag:$0xD], $0x400, $0x38;
	[tilespmem:$0x1CB00] =	vst v63  }
0x11b: {  	s0 =	sadd.s32 $0x800, s2;
	s14 =	simm.s32 $0x8B00  }
0x11c: {  	[hbm4b:s0+s4] =	stream.linear.scatter [tilespmem:s14], [sflag:$0xD], $0x400, $0x38;
	[tilespmem:$0x1CB00] =	vst v63  }
0x11d: {  	s0 =	sadd.s32 $0x980, s2;
	s14 =	simm.s32 $0x9700  }
0x11e: {  	[hbm4b:s0+s4] =	stream.linear.scatter [tilespmem:s14], [sflag:$0xD], $0x400, $0x38;
	[tilespmem:$0x1CB00] =	vst v63  }
0x11f: {  	s0 =	sadd.s32 $0xB00, s2;
	s14 =	simm.s32 $0xA300  }
0x120: {  	[hbm4b:s0+s4] =	stream.linear.scatter [tilespmem:s14], [sflag:$0xD], $0x400, $0x38;
	[tilespmem:$0x1CB00] =	vst v63  }
0x121: {  	s14 =	simm.s32 $0x3  }
0x122: {  	_ =	swait.ge [sflag:s14], $0x2000  }
0x123: {  	[sflag:s14] =	ssyncset.done $0x0  }
0x124: {  	s0 =	sadd.s32 $0x100, s2;
	[sflag:s14] =	ssyncadd.s32 $0xFFFFE000;
	s14 =	simm.s32 $0x5300  }
0x125: {  	[hbm4b:s0+s4] =	stream.linear.scatter [tilespmem:s14], [sflag:$0xD], $0x400, $0x38;
	[tilespmem:$0x1CB00] =	vst v63  }
0x126: {  	s0 =	sadd.s32 $0x280, s2;
	s14 =	simm.s32 $0x5F00  }
0x127: {  	[hbm4b:s0+s4] =	stream.linear.scatter [tilespmem:s14], [sflag:$0xD], $0x400, $0x38;
	[tilespmem:$0x1CB00] =	vst v63  }
0x128: {  	s0 =	sadd.s32 $0x400, s2;
	s14 =	simm.s32 $0x6B00  }
0x129: {  	[hbm4b:s0+s4] =	stream.linear.scatter [tilespmem:s14], [sflag:$0xD], $0x400, $0x38;
	[tilespmem:$0x1CB00] =	vst v63  }
0x12a: {  	s0 =	sadd.s32 $0x580, s2;
	s14 =	simm.s32 $0x7700  }
0x12b: {  	[hbm4b:s0+s4] =	stream.linear.scatter [tilespmem:s14], [sflag:$0xD], $0x400, $0x38;
	[tilespmem:$0x1CB00] =	vst v63  }
0x12c: {  	s0 =	sadd.s32 $0x700, s2;
	s14 =	simm.s32 $0x8300  }
0x12d: {  	[hbm4b:s0+s4] =	stream.linear.scatter [tilespmem:s14], [sflag:$0xD], $0x400, $0x38;
	[tilespmem:$0x1CB00] =	vst v63  }
0x12e: {  	s0 =	sadd.s32 $0x880, s2;
	s14 =	simm.s32 $0x8F00  }
0x12f: {  	[hbm4b:s0+s4] =	stream.linear.scatter [tilespmem:s14], [sflag:$0xD], $0x400, $0x38;
	[tilespmem:$0x1CB00] =	vst v63  }
0x130: {  	s0 =	sadd.s32 $0xA00, s2;
	s14 =	simm.s32 $0x9B00  }
0x131: {  	[hbm4b:s0+s4] =	stream.linear.scatter [tilespmem:s14], [sflag:$0xD], $0x400, $0x38;
	[tilespmem:$0x1CB00] =	vst v63  }
0x132: {  	p0 =	seq.s32 s31, $0x0;
	s2 =	sadd.s32 $0xB80, s2;
	s14 =	simm.s32 $0xA700  }
0x133: {  	[hbm4b:s2+s4] =	stream.linear.scatter [tilespmem:s14], [sflag:$0xD], $0x400, $0x38;
	[tilespmem:$0x1CB00] =	vst v63  }
0x134: {  	s0 =	simm.s32 @!p0 $0xF;
	_ =	strace $0x80000048  }
0x135: {  	_ =	swait.ge @!p0 [sflag:s0], $0x2000  }
0x136: {  	[sflag:s0] =	ssyncset.done @!p0 $0x0  }
0x137: {  	[sflag:s0] =	ssyncadd.s32 @!p0 $0xFFFFE000  }
0x138: {  	_ =	swait.ge @!p0 [sflag:s0], $0x2000  }
0x139: {  	[sflag:s0] =	ssyncset.done @!p0 $0x0  }
0x13a: {  	[sflag:s0] =	ssyncadd.s32 @!p0 $0xFFFFE000  }
0x13b: {  	_ =	swait.ge @!p0 [sflag:s0], $0x2000  }
0x13c: {  	[sflag:s0] =	ssyncset.done @!p0 $0x0  }
0x13d: {  	[sflag:s0] =	ssyncadd.s32 @!p0 $0xFFFFE000  }
0x13e: {  	_ =	strace $0x90000048  }
0x13f: {  	_ =	strace $0x80000049  }
0x140: {  	v3 =	vld [tilespmem:s28+$0xFFFFFFC0];
	_ =	sdelay $0x4  }
0x141: {  	v4 =	vperm.xlane v3, v0;
	_ =	sdelay $0x1  }
0x142: {  	v3 =	vperm.xlane v3, v2;
	v4 =	vadd.s32 v1, v4;
	_ =	sdelay $0x1  }
0x143: {  	v3 =	vadd.s32 v1, v3;
	_ =	sdelay $0x1  }
0x144: {  	s2 =	simm.s32 $0x10B00  }
0x145: {  	[tilespmem:s2], [sflag:$0x7] =	stream.indirect_vreg.gather [hbm4b:s1+s4], $0x80, v4, vm0, $0x2000b8;
	[tilespmem:$0x1CB00] =	vst v63  }
0x146: {  	s14 =	simm.s32 $0x11700  }
0x147: {  	[tilespmem:s14], [sflag:$0x7] =	stream.indirect_vreg.gather [hbm4b:s1+s4], $0x80, v3, vm0, $0x2000b8;
	[tilespmem:$0x1CB00] =	vst v63  }
0x148: {  	v3 =	vld [tilespmem:s28+$0xFFFFFFD0];
	_ =	sdelay $0x4  }
0x149: {  	v41 =	vperm.xlane v3, v0;
	_ =	sdelay $0x1  }
0x14a: {  	v3 =	vperm.xlane v3, v2;
	v4 =	vadd.s32 v1, v41;
	_ =	sdelay $0x1  }
0x14b: {  	v3 =	vadd.s32 v1, v3;
	_ =	sdelay $0x1  }
0x14c: {  	s2 =	simm.s32 $0x12300  }
0x14d: {  	[tilespmem:s2], [sflag:$0x7] =	stream.indirect_vreg.gather [hbm4b:s1+s4], $0x80, v4, vm0, $0x2000b8;
	[tilespmem:$0x1CB00] =	vst v63  }
0x14e: {  	s14 =	simm.s32 $0x12F00  }
0x14f: {  	[tilespmem:s14], [sflag:$0x7] =	stream.indirect_vreg.gather [hbm4b:s1+s4], $0x80, v3, vm0, $0x2000b8;
	[tilespmem:$0x1CB00] =	vst v63  }
0x150: {  	v3 =	vld [tilespmem:s28+$0xFFFFFFE0];
	_ =	sdelay $0x4  }
0x151: {  	v42 =	vperm.xlane v3, v0;
	_ =	sdelay $0x1  }
0x152: {  	v3 =	vperm.xlane v3, v2;
	v4 =	vadd.s32 v1, v42;
	_ =	sdelay $0x1  }
0x153: {  	v3 =	vadd.s32 v1, v3;
	_ =	sdelay $0x1  }
0x154: {  	s2 =	simm.s32 $0x13B00  }
0x155: {  	[tilespmem:s2], [sflag:$0x7] =	stream.indirect_vreg.gather [hbm4b:s1+s4], $0x80, v4, vm0, $0x2000b8;
	[tilespmem:$0x1CB00] =	vst v63  }
0x156: {  	s14 =	simm.s32 $0x14700  }
0x157: {  	[tilespmem:s14], [sflag:$0x7] =	stream.indirect_vreg.gather [hbm4b:s1+s4], $0x80, v3, vm0, $0x2000b8;
	[tilespmem:$0x1CB00] =	vst v63  }
0x158: {  	v3 =	vld [tilespmem:s28+$0xFFFFFFF0];
	_ =	sdelay $0x4  }
0x159: {  	v43 =	vperm.xlane v3, v0;
	_ =	sdelay $0x1  }
0x15a: {  	v3 =	vperm.xlane v3, v2;
	v4 =	vadd.s32 v1, v43;
	_ =	sdelay $0x1  }
0x15b: {  	v3 =	vadd.s32 v1, v3;
	_ =	sdelay $0x1  }
0x15c: {  	s2 =	simm.s32 $0x15300  }
0x15d: {  	[tilespmem:s2], [sflag:$0x7] =	stream.indirect_vreg.gather [hbm4b:s1+s4], $0x80, v4, vm0, $0x2000b8;
	[tilespmem:$0x1CB00] =	vst v63  }
0x15e: {  	s14 =	simm.s32 $0x15F00  }
0x15f: {  	[tilespmem:s14], [sflag:$0x7] =	stream.indirect_vreg.gather [hbm4b:s1+s4], $0x80, v3, vm0, $0x2000b8;
	[tilespmem:$0x1CB00] =	vst v63  }
0x160: {  	v3 =	vld [tilespmem:s29+$0xFFFFFFC0];
	_ =	sdelay $0x4  }
0x161: {  	v44 =	vperm.xlane v3, v0;
	_ =	sdelay $0x1  }
0x162: {  	v3 =	vperm.xlane v3, v2;
	v4 =	vadd.s32 v1, v44;
	_ =	sdelay $0x1  }
0x163: {  	v3 =	vadd.s32 v1, v3;
	_ =	sdelay $0x1  }
0x164: {  	s2 =	simm.s32 $0x10F00  }
0x165: {  	[tilespmem:s2], [sflag:$0x8] =	stream.indirect_vreg.gather [hbm4b:s3+s4], $0x80, v4, vm0, $0x2000b8;
	[tilespmem:$0x1CB00] =	vst v63  }
0x166: {  	s14 =	simm.s32 $0x11B00  }
0x167: {  	[tilespmem:s14], [sflag:$0x8] =	stream.indirect_vreg.gather [hbm4b:s3+s4], $0x80, v3, vm0, $0x2000b8;
	[tilespmem:$0x1CB00] =	vst v63  }
0x168: {  	v3 =	vld [tilespmem:s29+$0xFFFFFFD0];
	_ =	sdelay $0x4  }
0x169: {  	v45 =	vperm.xlane v3, v0;
	_ =	sdelay $0x1  }
0x16a: {  	v3 =	vperm.xlane v3, v2;
	v4 =	vadd.s32 v1, v45;
	_ =	sdelay $0x1  }
0x16b: {  	v3 =	vadd.s32 v1, v3;
	_ =	sdelay $0x1  }
0x16c: {  	s2 =	simm.s32 $0x12700  }
0x16d: {  	[tilespmem:s2], [sflag:$0x8] =	stream.indirect_vreg.gather [hbm4b:s3+s4], $0x80, v4, vm0, $0x2000b8;
	[tilespmem:$0x1CB00] =	vst v63  }
0x16e: {  	s14 =	simm.s32 $0x13300  }
0x16f: {  	[tilespmem:s14], [sflag:$0x8] =	stream.indirect_vreg.gather [hbm4b:s3+s4], $0x80, v3, vm0, $0x2000b8;
	[tilespmem:$0x1CB00] =	vst v63  }
0x170: {  	v3 =	vld [tilespmem:s29+$0xFFFFFFE0];
	_ =	sdelay $0x4  }
0x171: {  	v46 =	vperm.xlane v3, v0;
	_ =	sdelay $0x1  }
0x172: {  	v3 =	vperm.xlane v3, v2;
	v4 =	vadd.s32 v1, v46;
	_ =	sdelay $0x1  }
0x173: {  	v3 =	vadd.s32 v1, v3;
	_ =	sdelay $0x1  }
0x174: {  	s2 =	simm.s32 $0x13F00  }
0x175: {  	[tilespmem:s2], [sflag:$0x8] =	stream.indirect_vreg.gather [hbm4b:s3+s4], $0x80, v4, vm0, $0x2000b8;
	[tilespmem:$0x1CB00] =	vst v63  }
0x176: {  	s14 =	simm.s32 $0x14B00  }
0x177: {  	[tilespmem:s14], [sflag:$0x8] =	stream.indirect_vreg.gather [hbm4b:s3+s4], $0x80, v3, vm0, $0x2000b8;
	[tilespmem:$0x1CB00] =	vst v63  }
0x178: {  	v3 =	vld [tilespmem:s29+$0xFFFFFFF0];
	_ =	sdelay $0x4  }
0x179: {  	v47 =	vperm.xlane v3, v0;
	_ =	sdelay $0x1  }
0x17a: {  	v3 =	vperm.xlane v3, v2;
	v4 =	vadd.s32 v1, v47;
	_ =	sdelay $0x1  }
0x17b: {  	v3 =	vadd.s32 v1, v3;
	_ =	sdelay $0x1  }
0x17c: {  	s2 =	simm.s32 $0x15700  }
0x17d: {  	[tilespmem:s2], [sflag:$0x8] =	stream.indirect_vreg.gather [hbm4b:s3+s4], $0x80, v4, vm0, $0x2000b8;
	[tilespmem:$0x1CB00] =	vst v63  }
0x17e: {  	s14 =	simm.s32 $0x16300  }
0x17f: {  	[tilespmem:s14], [sflag:$0x8] =	stream.indirect_vreg.gather [hbm4b:s3+s4], $0x80, v3, vm0, $0x2000b8;
	[tilespmem:$0x1CB00] =	vst v63  }
0x180: {  	v3 =	vld [tilespmem:s30+$0xFFFFFFC0];
	_ =	sdelay $0x4  }
0x181: {  	v48 =	vperm.xlane v3, v0;
	_ =	sdelay $0x1  }
0x182: {  	v3 =	vperm.xlane v3, v2;
	v4 =	vadd.s32 v1, v48;
	_ =	sdelay $0x1  }
0x183: {  	v3 =	vadd.s32 v1, v3;
	_ =	sdelay $0x1  }
0x184: {  	s2 =	simm.s32 $0x11300  }
0x185: {  	[tilespmem:s2], [sflag:$0x9] =	stream.indirect_vreg.gather [hbm4b:s1+s4], $0x80, v4, vm0, $0x2000b8;
	[tilespmem:$0x1CB00] =	vst v63  }
0x186: {  	s14 =	simm.s32 $0x11F00  }
0x187: {  	[tilespmem:s14], [sflag:$0x9] =	stream.indirect_vreg.gather [hbm4b:s1+s4], $0x80, v3, vm0, $0x2000b8;
	[tilespmem:$0x1CB00] =	vst v63  }
0x188: {  	v3 =	vld [tilespmem:s30+$0xFFFFFFD0];
	_ =	sdelay $0x4  }
0x189: {  	v49 =	vperm.xlane v3, v0;
	_ =	sdelay $0x1  }
0x18a: {  	v3 =	vperm.xlane v3, v2;
	v4 =	vadd.s32 v1, v49;
	_ =	sdelay $0x1  }
0x18b: {  	v3 =	vadd.s32 v1, v3;
	_ =	sdelay $0x1  }
0x18c: {  	s2 =	simm.s32 $0x12B00  }
0x18d: {  	[tilespmem:s2], [sflag:$0x9] =	stream.indirect_vreg.gather [hbm4b:s1+s4], $0x80, v4, vm0, $0x2000b8;
	[tilespmem:$0x1CB00] =	vst v63  }
0x18e: {  	s14 =	simm.s32 $0x13700  }
0x18f: {  	[tilespmem:s14], [sflag:$0x9] =	stream.indirect_vreg.gather [hbm4b:s1+s4], $0x80, v3, vm0, $0x2000b8;
	[tilespmem:$0x1CB00] =	vst v63  }
0x190: {  	v3 =	vld [tilespmem:s30+$0xFFFFFFE0];
	_ =	sdelay $0x4  }
0x191: {  	v50 =	vperm.xlane v3, v0;
	_ =	sdelay $0x1  }
0x192: {  	v3 =	vperm.xlane v3, v2;
	v4 =	vadd.s32 v1, v50;
	_ =	sdelay $0x1  }
0x193: {  	v3 =	vadd.s32 v1, v3;
	_ =	sdelay $0x1  }
0x194: {  	s2 =	simm.s32 $0x14300  }
0x195: {  	[tilespmem:s2], [sflag:$0x9] =	stream.indirect_vreg.gather [hbm4b:s1+s4], $0x80, v4, vm0, $0x2000b8;
	[tilespmem:$0x1CB00] =	vst v63  }
0x196: {  	s14 =	simm.s32 $0x14F00  }
0x197: {  	[tilespmem:s14], [sflag:$0x9] =	stream.indirect_vreg.gather [hbm4b:s1+s4], $0x80, v3, vm0, $0x2000b8;
	[tilespmem:$0x1CB00] =	vst v63  }
0x198: {  	v3 =	vld [tilespmem:s30+$0xFFFFFFF0];
	_ =	sdelay $0x4  }
0x199: {  	v51 =	vperm.xlane v3, v0;
	_ =	sdelay $0x1  }
0x19a: {  	v3 =	vperm.xlane v3, v2;
	v4 =	vadd.s32 v1, v51;
	_ =	sdelay $0x1  }
0x19b: {  	v3 =	vadd.s32 v1, v3;
	_ =	sdelay $0x1  }
0x19c: {  	s14 =	simm.s32 $0x15B00  }
0x19d: {  	[tilespmem:s14], [sflag:$0x9] =	stream.indirect_vreg.gather [hbm4b:s1+s4], $0x80, v4, vm0, $0x2000b8;
	[tilespmem:$0x1CB00] =	vst v63  }
0x19e: {  	s2 =	simm.s32 $0x16700  }
0x19f: {  	[tilespmem:s2], [sflag:$0x9] =	stream.indirect_vreg.gather [hbm4b:s1+s4], $0x80, v3, vm0, $0x2000b8;
	[tilespmem:$0x1CB00] =	vst v63  }
0x1a0: {  	s2 =	simm.s32 $0x4;
	_ =	strace $0x90000049  }
0x1a1: {  	_ =	swait.ge [sflag:s2], $0x2000  }
0x1a2: {  	[sflag:s2] =	ssyncset.done $0x0  }
0x1a3: {  	[sflag:s2] =	ssyncadd.s32 $0xFFFFE000;
	s2 =	rddreg [dreg:$0xc]  }
0x1a4: {  	s0 =	sadd.s32 s31, s2  }
0x1a5: {  	[hbm4b:s0+s4] =	stream.linear.scatter [tilespmem:s15], [sflag:$0xE], $0x400, $0x38;
	[tilespmem:$0x1CB00] =	vst v63  }
0x1a6: {  	s15 =	sadd.s32 $0x180, s0  }
0x1a7: {  	[hbm4b:s15+s4] =	stream.linear.scatter [tilespmem:s5], [sflag:$0xE], $0x400, $0x38;
	[tilespmem:$0x1CB00] =	vst v63  }
0x1a8: {  	s5 =	sadd.s32 $0x300, s0  }
0x1a9: {  	[hbm4b:s5+s4] =	stream.linear.scatter [tilespmem:s6], [sflag:$0xE], $0x400, $0x38;
	[tilespmem:$0x1CB00] =	vst v63  }
0x1aa: {  	s6 =	sadd.s32 $0x480, s0  }
0x1ab: {  	[hbm4b:s6+s4] =	stream.linear.scatter [tilespmem:s7], [sflag:$0xE], $0x400, $0x38;
	[tilespmem:$0x1CB00] =	vst v63  }
0x1ac: {  	s15 =	sadd.s32 $0x600, s0  }
0x1ad: {  	[hbm4b:s15+s4] =	stream.linear.scatter [tilespmem:s8], [sflag:$0xE], $0x400, $0x38;
	[tilespmem:$0x1CB00] =	vst v63  }
0x1ae: {  	s5 =	sadd.s32 $0x780, s0  }
0x1af: {  	[hbm4b:s5+s4] =	stream.linear.scatter [tilespmem:s17], [sflag:$0xE], $0x400, $0x38;
	[tilespmem:$0x1CB00] =	vst v63  }
0x1b0: {  	s6 =	sadd.s32 $0x900, s0  }
0x1b1: {  	[hbm4b:s6+s4] =	stream.linear.scatter [tilespmem:s18], [sflag:$0xE], $0x400, $0x38;
	[tilespmem:$0x1CB00] =	vst v63  }
0x1b2: {  	s7 =	sadd.s32 $0xA80, s0;
	s8 =	simm.s32 $0x5  }
0x1b3: {  	[hbm4b:s7+s4] =	stream.linear.scatter [tilespmem:s9], [sflag:$0xE], $0x400, $0x38;
	[tilespmem:$0x1CB00] =	vst v63  }
0x1b4: {  	_ =	swait.ge [sflag:s8], $0x2000  }
0x1b5: {  	[sflag:s8] =	ssyncset.done $0x0  }
0x1b6: {  	s9 =	sadd.s32 $0x80, s0;
	[sflag:s8] =	ssyncadd.s32 $0xFFFFE000  }
0x1b7: {  	[hbm4b:s9+s4] =	stream.linear.scatter [tilespmem:s10], [sflag:$0xE], $0x400, $0x38;
	[tilespmem:$0x1CB00] =	vst v63  }
0x1b8: {  	s10 =	sadd.s32 $0x200, s0  }
0x1b9: {  	[hbm4b:s10+s4] =	stream.linear.scatter [tilespmem:s11], [sflag:$0xE], $0x400, $0x38;
	[tilespmem:$0x1CB00] =	vst v63  }
0x1ba: {  	s11 =	sadd.s32 $0x380, s0  }
0x1bb: {  	[hbm4b:s11+s4] =	stream.linear.scatter [tilespmem:s13], [sflag:$0xE], $0x400, $0x38;
	[tilespmem:$0x1CB00] =	vst v63  }
0x1bc: {  	s15 =	sadd.s32 $0x500, s0  }
0x1bd: {  	[hbm4b:s15+s4] =	stream.linear.scatter [tilespmem:s12], [sflag:$0xE], $0x400, $0x38;
	[tilespmem:$0x1CB00] =	vst v63  }
0x1be: {  	s17 =	sadd.s32 $0x680, s0  }
0x1bf: {  	[hbm4b:s17+s4] =	stream.linear.scatter [tilespmem:s16], [sflag:$0xE], $0x400, $0x38;
	[tilespmem:$0x1CB00] =	vst v63  }
0x1c0: {  	s18 =	sadd.s32 $0x800, s0  }
0x1c1: {  	[hbm4b:s18+s4] =	stream.linear.scatter [tilespmem:s19], [sflag:$0xE], $0x400, $0x38;
	[tilespmem:$0x1CB00] =	vst v63  }
0x1c2: {  	s19 =	sadd.s32 $0x980, s0  }
0x1c3: {  	[hbm4b:s19+s4] =	stream.linear.scatter [tilespmem:s20], [sflag:$0xE], $0x400, $0x38;
	[tilespmem:$0x1CB00] =	vst v63  }
0x1c4: {  	s20 =	sadd.s32 $0xB00, s0  }
0x1c5: {  	[hbm4b:s20+s4] =	stream.linear.scatter [tilespmem:s21], [sflag:$0xE], $0x400, $0x38;
	[tilespmem:$0x1CB00] =	vst v63  }
0x1c6: {  	s21 =	simm.s32 $0x6  }
0x1c7: {  	_ =	swait.ge [sflag:s21], $0x2000  }
0x1c8: {  	[sflag:s21] =	ssyncset.done $0x0  }
0x1c9: {  	s5 =	sadd.s32 $0x100, s0;
	[sflag:s21] =	ssyncadd.s32 $0xFFFFE000  }
0x1ca: {  	[hbm4b:s5+s4] =	stream.linear.scatter [tilespmem:s23], [sflag:$0xE], $0x400, $0x38;
	[tilespmem:$0x1CB00] =	vst v63  }
0x1cb: {  	s6 =	sadd.s32 $0x280, s0  }
0x1cc: {  	[hbm4b:s6+s4] =	stream.linear.scatter [tilespmem:s24], [sflag:$0xE], $0x400, $0x38;
	[tilespmem:$0x1CB00] =	vst v63  }
0x1cd: {  	s7 =	sadd.s32 $0x400, s0  }
0x1ce: {  	[hbm4b:s7+s4] =	stream.linear.scatter [tilespmem:s25], [sflag:$0xE], $0x400, $0x38;
	[tilespmem:$0x1CB00] =	vst v63  }
0x1cf: {  	s8 =	sadd.s32 $0x580, s0;
	s9 =	simm.s32 $0xD700  }
0x1d0: {  	[hbm4b:s8+s4] =	stream.linear.scatter [tilespmem:s9], [sflag:$0xE], $0x400, $0x38;
	[tilespmem:$0x1CB00] =	vst v63  }
0x1d1: {  	s10 =	sadd.s32 $0x700, s0;
	s11 =	simm.s32 $0xE300  }
0x1d2: {  	[hbm4b:s10+s4] =	stream.linear.scatter [tilespmem:s11], [sflag:$0xE], $0x400, $0x38;
	[tilespmem:$0x1CB00] =	vst v63  }
0x1d3: {  	s13 =	simm.s32 $0xEF00;
	s12 =	sadd.s32 $0x880, s0  }
0x1d4: {  	[hbm4b:s12+s4] =	stream.linear.scatter [tilespmem:s13], [sflag:$0xE], $0x400, $0x38;
	[tilespmem:$0x1CB00] =	vst v63  }
0x1d5: {  	s15 =	sadd.s32 $0xA00, s0  }
0x1d6: {  	[hbm4b:s15+s4] =	stream.linear.scatter [tilespmem:s26], [sflag:$0xE], $0x400, $0x38;
	[tilespmem:$0x1CB00] =	vst v63  }
0x1d7: {  	s0 =	sadd.s32 $0xB80, s0  }
0x1d8: {  	[hbm4b:s0+s4] =	stream.linear.scatter [tilespmem:s22], [sflag:$0xE], $0x400, $0x38;
	[tilespmem:$0x1CB00] =	vst v63  }
0x1d9: {  	s0 =	simm.s32 @!p0 $0x10;
	_ =	strace $0x8000004A  }
0x1da: {  	_ =	swait.ge @!p0 [sflag:s0], $0x2000  }
0x1db: {  	[sflag:s0] =	ssyncset.done @!p0 $0x0  }
0x1dc: {  	[sflag:s0] =	ssyncadd.s32 @!p0 $0xFFFFE000  }
0x1dd: {  	_ =	swait.ge @!p0 [sflag:s0], $0x2000  }
0x1de: {  	[sflag:s0] =	ssyncset.done @!p0 $0x0  }
0x1df: {  	[sflag:s0] =	ssyncadd.s32 @!p0 $0xFFFFE000  }
0x1e0: {  	_ =	swait.ge @!p0 [sflag:s0], $0x2000  }
0x1e1: {  	[sflag:s0] =	ssyncset.done @!p0 $0x0  }
0x1e2: {  	[sflag:s0] =	ssyncadd.s32 @!p0 $0xFFFFE000  }
0x1e3: {  	_ =	strace $0x9000004A  }
0x1e4: {  	_ =	strace $0x8000004B  }
0x1e5: {  	v3 =	vld [tilespmem:s28+$0x0];
	_ =	sdelay $0x4  }
0x1e6: {  	v52 =	vperm.xlane v3, v0;
	_ =	sdelay $0x1  }
0x1e7: {  	v3 =	vperm.xlane v3, v2;
	v4 =	vadd.s32 v1, v52;
	_ =	sdelay $0x1  }
0x1e8: {  	v3 =	vadd.s32 v1, v3;
	_ =	sdelay $0x1  }
0x1e9: {  	s16 =	simm.s32 $0x16B00  }
0x1ea: {  	[tilespmem:s16], [sflag:$0xA] =	stream.indirect_vreg.gather [hbm4b:s1+s4], $0x80, v4, vm0, $0x2000b8;
	[tilespmem:$0x1CB00] =	vst v63  }
0x1eb: {  	s17 =	simm.s32 $0x17700  }
0x1ec: {  	[tilespmem:s17], [sflag:$0xA] =	stream.indirect_vreg.gather [hbm4b:s1+s4], $0x80, v3, vm0, $0x2000b8;
	[tilespmem:$0x1CB00] =	vst v63  }
0x1ed: {  	v3 =	vld [tilespmem:s28+$0x10];
	_ =	sdelay $0x4  }
0x1ee: {  	v53 =	vperm.xlane v3, v0;
	_ =	sdelay $0x1  }
0x1ef: {  	v3 =	vperm.xlane v3, v2;
	v4 =	vadd.s32 v1, v53;
	_ =	sdelay $0x1  }
0x1f0: {  	v3 =	vadd.s32 v1, v3;
	_ =	sdelay $0x1  }
0x1f1: {  	s18 =	simm.s32 $0x18300  }
0x1f2: {  	[tilespmem:s18], [sflag:$0xA] =	stream.indirect_vreg.gather [hbm4b:s1+s4], $0x80, v4, vm0, $0x2000b8;
	[tilespmem:$0x1CB00] =	vst v63  }
0x1f3: {  	s19 =	simm.s32 $0x18F00  }
0x1f4: {  	[tilespmem:s19], [sflag:$0xA] =	stream.indirect_vreg.gather [hbm4b:s1+s4], $0x80, v3, vm0, $0x2000b8;
	[tilespmem:$0x1CB00] =	vst v63  }
0x1f5: {  	v3 =	vld [tilespmem:s28+$0x20];
	_ =	sdelay $0x4  }
0x1f6: {  	v54 =	vperm.xlane v3, v0;
	_ =	sdelay $0x1  }
0x1f7: {  	v3 =	vperm.xlane v3, v2;
	v4 =	vadd.s32 v1, v54;
	_ =	sdelay $0x1  }
0x1f8: {  	v3 =	vadd.s32 v1, v3;
	_ =	sdelay $0x1  }
0x1f9: {  	s20 =	simm.s32 $0x19B00  }
0x1fa: {  	[tilespmem:s20], [sflag:$0xA] =	stream.indirect_vreg.gather [hbm4b:s1+s4], $0x80, v4, vm0, $0x2000b8;
	[tilespmem:$0x1CB00] =	vst v63  }
0x1fb: {  	s21 =	simm.s32 $0x1A700  }
0x1fc: {  	[tilespmem:s21], [sflag:$0xA] =	stream.indirect_vreg.gather [hbm4b:s1+s4], $0x80, v3, vm0, $0x2000b8;
	[tilespmem:$0x1CB00] =	vst v63  }
0x1fd: {  	v3 =	vld [tilespmem:s28+$0x30];
	_ =	sdelay $0x4  }
0x1fe: {  	v55 =	vperm.xlane v3, v0;
	_ =	sdelay $0x1  }
0x1ff: {  	v3 =	vperm.xlane v3, v2;
	v4 =	vadd.s32 v1, v55;
	_ =	sdelay $0x1  }
0x200: {  	v3 =	vadd.s32 v1, v3;
	_ =	sdelay $0x1  }
0x201: {  	s22 =	simm.s32 $0x1B300  }
0x202: {  	[tilespmem:s22], [sflag:$0xA] =	stream.indirect_vreg.gather [hbm4b:s1+s4], $0x80, v4, vm0, $0x2000b8;
	[tilespmem:$0x1CB00] =	vst v63  }
0x203: {  	s23 =	simm.s32 $0x1BF00  }
0x204: {  	[tilespmem:s23], [sflag:$0xA] =	stream.indirect_vreg.gather [hbm4b:s1+s4], $0x80, v3, vm0, $0x2000b8;
	[tilespmem:$0x1CB00] =	vst v63  }
0x205: {  	v3 =	vld [tilespmem:s29+$0x0];
	_ =	sdelay $0x4  }
0x206: {  	v56 =	vperm.xlane v3, v0;
	_ =	sdelay $0x1  }
0x207: {  	v3 =	vperm.xlane v3, v2;
	v4 =	vadd.s32 v1, v56;
	_ =	sdelay $0x1  }
0x208: {  	v3 =	vadd.s32 v1, v3;
	_ =	sdelay $0x1  }
0x209: {  	s24 =	simm.s32 $0x16F00  }
0x20a: {  	[tilespmem:s24], [sflag:$0xB] =	stream.indirect_vreg.gather [hbm4b:s3+s4], $0x80, v4, vm0, $0x2000b8;
	[tilespmem:$0x1CB00] =	vst v63  }
0x20b: {  	s25 =	simm.s32 $0x17B00  }
0x20c: {  	[tilespmem:s25], [sflag:$0xB] =	stream.indirect_vreg.gather [hbm4b:s3+s4], $0x80, v3, vm0, $0x2000b8;
	[tilespmem:$0x1CB00] =	vst v63  }
0x20d: {  	v3 =	vld [tilespmem:s29+$0x10];
	_ =	sdelay $0x4  }
0x20e: {  	v57 =	vperm.xlane v3, v0;
	_ =	sdelay $0x1  }
0x20f: {  	v3 =	vperm.xlane v3, v2;
	v4 =	vadd.s32 v1, v57;
	_ =	sdelay $0x1  }
0x210: {  	v3 =	vadd.s32 v1, v3;
	_ =	sdelay $0x1  }
0x211: {  	s26 =	simm.s32 $0x18700  }
0x212: {  	[tilespmem:s26], [sflag:$0xB] =	stream.indirect_vreg.gather [hbm4b:s3+s4], $0x80, v4, vm0, $0x2000b8;
	[tilespmem:$0x1CB00] =	vst v63  }
0x213: {  	s2 =	simm.s32 $0x19300  }
0x214: {  	[tilespmem:s2], [sflag:$0xB] =	stream.indirect_vreg.gather [hbm4b:s3+s4], $0x80, v3, vm0, $0x2000b8;
	[tilespmem:$0x1CB00] =	vst v63  }
0x215: {  	v3 =	vld [tilespmem:s29+$0x20];
	_ =	sdelay $0x4  }
0x216: {  	v58 =	vperm.xlane v3, v0;
	_ =	sdelay $0x1  }
0x217: {  	v3 =	vperm.xlane v3, v2;
	v4 =	vadd.s32 v1, v58;
	_ =	sdelay $0x1  }
0x218: {  	v3 =	vadd.s32 v1, v3;
	_ =	sdelay $0x1  }
0x219: {  	s5 =	simm.s32 $0x19F00  }
0x21a: {  	[tilespmem:s5], [sflag:$0xB] =	stream.indirect_vreg.gather [hbm4b:s3+s4], $0x80, v4, vm0, $0x2000b8;
	[tilespmem:$0x1CB00] =	vst v63  }
0x21b: {  	s6 =	simm.s32 $0x1AB00  }
0x21c: {  	[tilespmem:s6], [sflag:$0xB] =	stream.indirect_vreg.gather [hbm4b:s3+s4], $0x80, v3, vm0, $0x2000b8;
	[tilespmem:$0x1CB00] =	vst v63  }
0x21d: {  	v3 =	vld [tilespmem:s29+$0x30];
	_ =	sdelay $0x4  }
0x21e: {  	v59 =	vperm.xlane v3, v0;
	_ =	sdelay $0x1  }
0x21f: {  	v3 =	vperm.xlane v3, v2;
	v4 =	vadd.s32 v1, v59;
	_ =	sdelay $0x1  }
0x220: {  	v3 =	vadd.s32 v1, v3;
	_ =	sdelay $0x1  }
0x221: {  	s7 =	simm.s32 $0x1B700  }
0x222: {  	[tilespmem:s7], [sflag:$0xB] =	stream.indirect_vreg.gather [hbm4b:s3+s4], $0x80, v4, vm0, $0x2000b8;
	[tilespmem:$0x1CB00] =	vst v63  }
0x223: {  	s8 =	simm.s32 $0x1C300  }
0x224: {  	[tilespmem:s8], [sflag:$0xB] =	stream.indirect_vreg.gather [hbm4b:s3+s4], $0x80, v3, vm0, $0x2000b8;
	[tilespmem:$0x1CB00] =	vst v63  }
0x225: {  	v3 =	vld [tilespmem:s30+$0x0];
	_ =	sdelay $0x4  }
0x226: {  	v60 =	vperm.xlane v3, v0;
	_ =	sdelay $0x1  }
0x227: {  	v3 =	vperm.xlane v3, v2;
	v4 =	vadd.s32 v1, v60;
	_ =	sdelay $0x1  }
0x228: {  	v3 =	vadd.s32 v1, v3;
	_ =	sdelay $0x1  }
0x229: {  	s9 =	simm.s32 $0x17300  }
0x22a: {  	[tilespmem:s9], [sflag:$0xC] =	stream.indirect_vreg.gather [hbm4b:s1+s4], $0x80, v4, vm0, $0x2000b8;
	[tilespmem:$0x1CB00] =	vst v63  }
0x22b: {  	s10 =	simm.s32 $0x17F00  }
0x22c: {  	[tilespmem:s10], [sflag:$0xC] =	stream.indirect_vreg.gather [hbm4b:s1+s4], $0x80, v3, vm0, $0x2000b8;
	[tilespmem:$0x1CB00] =	vst v63  }
0x22d: {  	v3 =	vld [tilespmem:s30+$0x10];
	_ =	sdelay $0x4  }
0x22e: {  	v61 =	vperm.xlane v3, v0;
	_ =	sdelay $0x1  }
0x22f: {  	v3 =	vperm.xlane v3, v2;
	v4 =	vadd.s32 v1, v61;
	_ =	sdelay $0x1  }
0x230: {  	v3 =	vadd.s32 v1, v3;
	_ =	sdelay $0x1  }
0x231: {  	s11 =	simm.s32 $0x18B00  }
0x232: {  	[tilespmem:s11], [sflag:$0xC] =	stream.indirect_vreg.gather [hbm4b:s1+s4], $0x80, v4, vm0, $0x2000b8;
	[tilespmem:$0x1CB00] =	vst v63  }
0x233: {  	s12 =	simm.s32 $0x19700  }
0x234: {  	[tilespmem:s12], [sflag:$0xC] =	stream.indirect_vreg.gather [hbm4b:s1+s4], $0x80, v3, vm0, $0x2000b8;
	[tilespmem:$0x1CB00] =	vst v63  }
0x235: {  	v3 =	vld [tilespmem:s30+$0x20];
	_ =	sdelay $0x4  }
0x236: {  	v62 =	vperm.xlane v3, v0;
	_ =	sdelay $0x1  }
0x237: {  	v3 =	vperm.xlane v3, v2;
	v4 =	vadd.s32 v1, v62;
	_ =	sdelay $0x1  }
0x238: {  	v3 =	vadd.s32 v1, v3;
	_ =	sdelay $0x1  }
0x239: {  	s13 =	simm.s32 $0x1A300  }
0x23a: {  	[tilespmem:s13], [sflag:$0xC] =	stream.indirect_vreg.gather [hbm4b:s1+s4], $0x80, v4, vm0, $0x2000b8;
	[tilespmem:$0x1CB00] =	vst v63  }
0x23b: {  	s15 =	simm.s32 $0x1AF00  }
0x23c: {  	[tilespmem:s15], [sflag:$0xC] =	stream.indirect_vreg.gather [hbm4b:s1+s4], $0x80, v3, vm0, $0x2000b8;
	[tilespmem:$0x1CB00] =	vst v63  }
0x23d: {  	v3 =	vld [tilespmem:s30+$0x30];
	_ =	sdelay $0x4  }
0x23e: {  	v63 =	vperm.xlane v3, v0;
	_ =	sdelay $0x1  }
0x23f: {  	v3 =	vperm.xlane v3, v2;
	v4 =	vadd.s32 v1, v63;
	_ =	sdelay $0x1  }
0x240: {  	v3 =	vadd.s32 v1, v3;
	_ =	sdelay $0x1  }
0x241: {  	s16 =	simm.s32 $0x1BB00  }
0x242: {  	[tilespmem:s16], [sflag:$0xC] =	stream.indirect_vreg.gather [hbm4b:s1+s4], $0x80, v4, vm0, $0x2000b8;
	[tilespmem:$0x1CB00] =	vst v63  }
0x243: {  	s17 =	simm.s32 $0x1C700  }
0x244: {  	[tilespmem:s17], [sflag:$0xC] =	stream.indirect_vreg.gather [hbm4b:s1+s4], $0x80, v3, vm0, $0x2000b8;
	[tilespmem:$0x1CB00] =	vst v63  }
0x245: {  	s18 =	simm.s32 $0x7;
	_ =	strace $0x9000004B  }
0x246: {  	_ =	swait.ge [sflag:s18], $0x2000  }
0x247: {  	[sflag:s18] =	ssyncset.done $0x0;
	s19 =	rddreg [dreg:$0xe]  }
0x248: {  	s20 =	simm.s32 $0x10B00;
	[sflag:s18] =	ssyncadd.s32 $0xFFFFE000;
	s0 =	sadd.s32 s31, s19  }
0x249: {  	[hbm4b:s0+s4] =	stream.linear.scatter [tilespmem:s20], [sflag:$0xF], $0x400, $0x38;
	[tilespmem:$0x1CB00] =	vst v63  }
0x24a: {  	s22 =	simm.s32 $0x11700;
	s21 =	sadd.s32 $0x180, s0  }
0x24b: {  	[hbm4b:s21+s4] =	stream.linear.scatter [tilespmem:s22], [sflag:$0xF], $0x400, $0x38;
	[tilespmem:$0x1CB00] =	vst v63  }
0x24c: {  	s24 =	simm.s32 $0x12300;
	s23 =	sadd.s32 $0x300, s0  }
0x24d: {  	[hbm4b:s23+s4] =	stream.linear.scatter [tilespmem:s24], [sflag:$0xF], $0x400, $0x38;
	[tilespmem:$0x1CB00] =	vst v63  }
0x24e: {  	s26 =	simm.s32 $0x12F00;
	s25 =	sadd.s32 $0x480, s0  }
0x24f: {  	[hbm4b:s25+s4] =	stream.linear.scatter [tilespmem:s26], [sflag:$0xF], $0x400, $0x38;
	[tilespmem:$0x1CB00] =	vst v63  }
0x250: {  	s6 =	simm.s32 $0x13B00;
	s5 =	sadd.s32 $0x600, s0  }
0x251: {  	[hbm4b:s5+s4] =	stream.linear.scatter [tilespmem:s6], [sflag:$0xF], $0x400, $0x38;
	[tilespmem:$0x1CB00] =	vst v63  }
0x252: {  	s8 =	simm.s32 $0x14700;
	s7 =	sadd.s32 $0x780, s0  }
0x253: {  	[hbm4b:s7+s4] =	stream.linear.scatter [tilespmem:s8], [sflag:$0xF], $0x400, $0x38;
	[tilespmem:$0x1CB00] =	vst v63  }
0x254: {  	s10 =	simm.s32 $0x15300;
	s9 =	sadd.s32 $0x900, s0  }
0x255: {  	[hbm4b:s9+s4] =	stream.linear.scatter [tilespmem:s10], [sflag:$0xF], $0x400, $0x38;
	[tilespmem:$0x1CB00] =	vst v63  }
0x256: {  	s12 =	simm.s32 $0x15F00;
	s13 =	simm.s32 $0x8;
	s11 =	sadd.s32 $0xA80, s0  }
0x257: {  	[hbm4b:s11+s4] =	stream.linear.scatter [tilespmem:s12], [sflag:$0xF], $0x400, $0x38;
	[tilespmem:$0x1CB00] =	vst v63  }
0x258: {  	_ =	swait.ge [sflag:s13], $0x2000  }
0x259: {  	[sflag:s13] =	ssyncset.done $0x0  }
0x25a: {  	s16 =	simm.s32 $0x10F00;
	s15 =	sadd.s32 $0x80, s0;
	[sflag:s13] =	ssyncadd.s32 $0xFFFFE000  }
0x25b: {  	[hbm4b:s15+s4] =	stream.linear.scatter [tilespmem:s16], [sflag:$0xF], $0x400, $0x38;
	[tilespmem:$0x1CB00] =	vst v63  }
0x25c: {  	s18 =	simm.s32 $0x11B00;
	s17 =	sadd.s32 $0x200, s0  }
0x25d: {  	[hbm4b:s17+s4] =	stream.linear.scatter [tilespmem:s18], [sflag:$0xF], $0x400, $0x38;
	[tilespmem:$0x1CB00] =	vst v63  }
0x25e: {  	s19 =	sadd.s32 $0x380, s0;
	s20 =	simm.s32 $0x12700  }
0x25f: {  	[hbm4b:s19+s4] =	stream.linear.scatter [tilespmem:s20], [sflag:$0xF], $0x400, $0x38;
	[tilespmem:$0x1CB00] =	vst v63  }
0x260: {  	s21 =	sadd.s32 $0x500, s0;
	s22 =	simm.s32 $0x13300  }
0x261: {  	[hbm4b:s21+s4] =	stream.linear.scatter [tilespmem:s22], [sflag:$0xF], $0x400, $0x38;
	[tilespmem:$0x1CB00] =	vst v63  }
0x262: {  	s23 =	sadd.s32 $0x680, s0;
	s24 =	simm.s32 $0x13F00  }
0x263: {  	[hbm4b:s23+s4] =	stream.linear.scatter [tilespmem:s24], [sflag:$0xF], $0x400, $0x38;
	[tilespmem:$0x1CB00] =	vst v63  }
0x264: {  	s25 =	sadd.s32 $0x800, s0;
	s26 =	simm.s32 $0x14B00  }
0x265: {  	[hbm4b:s25+s4] =	stream.linear.scatter [tilespmem:s26], [sflag:$0xF], $0x400, $0x38;
	[tilespmem:$0x1CB00] =	vst v63  }
0x266: {  	s6 =	sadd.s32 $0x980, s0;
	s7 =	simm.s32 $0x15700  }
0x267: {  	[hbm4b:s6+s4] =	stream.linear.scatter [tilespmem:s7], [sflag:$0xF], $0x400, $0x38;
	[tilespmem:$0x1CB00] =	vst v63  }
0x268: {  	s8 =	sadd.s32 $0xB00, s0;
	s9 =	simm.s32 $0x16300;
	s10 =	simm.s32 $0x9  }
0x269: {  	[hbm4b:s8+s4] =	stream.linear.scatter [tilespmem:s9], [sflag:$0xF], $0x400, $0x38;
	[tilespmem:$0x1CB00] =	vst v63  }
0x26a: {  	_ =	swait.ge [sflag:s10], $0x2000  }
0x26b: {  	[sflag:s10] =	ssyncset.done $0x0  }
0x26c: {  	s11 =	sadd.s32 $0x100, s0;
	s12 =	simm.s32 $0x11300;
	[sflag:s10] =	ssyncadd.s32 $0xFFFFE000  }
0x26d: {  	[hbm4b:s11+s4] =	stream.linear.scatter [tilespmem:s12], [sflag:$0xF], $0x400, $0x38;
	[tilespmem:$0x1CB00] =	vst v63  }
0x26e: {  	s13 =	sadd.s32 $0x280, s0;
	s15 =	simm.s32 $0x11F00  }
0x26f: {  	[hbm4b:s13+s4] =	stream.linear.scatter [tilespmem:s15], [sflag:$0xF], $0x400, $0x38;
	[tilespmem:$0x1CB00] =	vst v63  }
0x270: {  	s16 =	sadd.s32 $0x400, s0;
	s17 =	simm.s32 $0x12B00  }
0x271: {  	[hbm4b:s16+s4] =	stream.linear.scatter [tilespmem:s17], [sflag:$0xF], $0x400, $0x38;
	[tilespmem:$0x1CB00] =	vst v63  }
0x272: {  	s18 =	sadd.s32 $0x580, s0;
	s19 =	simm.s32 $0x13700  }
0x273: {  	[hbm4b:s18+s4] =	stream.linear.scatter [tilespmem:s19], [sflag:$0xF], $0x400, $0x38;
	[tilespmem:$0x1CB00] =	vst v63  }
0x274: {  	s20 =	sadd.s32 $0x700, s0;
	s21 =	simm.s32 $0x14300  }
0x275: {  	[hbm4b:s20+s4] =	stream.linear.scatter [tilespmem:s21], [sflag:$0xF], $0x400, $0x38;
	[tilespmem:$0x1CB00] =	vst v63  }
0x276: {  	s22 =	sadd.s32 $0x880, s0;
	s23 =	simm.s32 $0x14F00  }
0x277: {  	[hbm4b:s22+s4] =	stream.linear.scatter [tilespmem:s23], [sflag:$0xF], $0x400, $0x38;
	[tilespmem:$0x1CB00] =	vst v63  }
0x278: {  	s24 =	sadd.s32 $0xA00, s0  }
0x279: {  	[hbm4b:s24+s4] =	stream.linear.scatter [tilespmem:s14], [sflag:$0xF], $0x400, $0x38;
	[tilespmem:$0x1CB00] =	vst v63  }
0x27a: {  	s0 =	sadd.s32 $0xB80, s0;
	s25 =	simm.s32 $0x16700  }
0x27b: {  	[hbm4b:s0+s4] =	stream.linear.scatter [tilespmem:s25], [sflag:$0xF], $0x400, $0x38;
	[tilespmem:$0x1CB00] =	vst v63  }
0x27c: {  	p0 =	seq.s32 s31, $0x48000;
	s26 =	simm.s32 $0xD;
	_ =	strace $0x8000004C  }
0x27d: {  	s5 =	simm.s32 $0xC300;
	s6 =	simm.s32 $0xCF00;
	_ =	swait.ge [sflag:s26], $0x2000  }
0x27e: {  	s7 =	simm.s32 $0xDB00;
	s8 =	simm.s32 $0xE700;
	[sflag:s26] =	ssyncset.done $0x0  }
0x27f: {  	s9 =	simm.s32 $0xAF00;
	s10 =	simm.s32 $0xBB00;
	[sflag:s26] =	ssyncadd.s32 $0xFFFFE000  }
0x280: {  	s11 =	simm.s32 $0xC700;
	s12 =	simm.s32 $0xDF00;
	_ =	swait.ge [sflag:s26], $0x2000  }
0x281: {  	s15 =	simm.s32 $0xB700;
	s13 =	simm.s32 $0xD300;
	[sflag:s26] =	ssyncset.done $0x0  }
0x282: {  	s17 =	simm.s32 $0xF300;
	s16 =	simm.s32 $0xEB00;
	[sflag:s26] =	ssyncadd.s32 $0xFFFFE000  }
.Ltmp2:
0x283: {  	s18 =	simm.s32 $0xFF00;
	_ =	swait.ge [sflag:s26], $0x2000;
	(pc) =	sbr.rel @p0 .LBB2_4-.Ltmp2, $4  }
0x284: {  	s19 =	simm.s32 $0xF700;
	s20 =	simm.s32 $0x10300;
	[sflag:s26] =	ssyncset.done $0x0  }
0x285: {  	s21 =	simm.s32 $0xB300;
	s23 =	simm.s32 $0xBF00;
	[sflag:s26] =	ssyncadd.s32 $0xFFFFE000  }
0x286: {  	s22 =	simm.s32 $0xE300;
	s14 =	simm.s32 $0xAB00;
	_ =	strace $0x9000004C  }
0x287: {  	s24 =	simm.s32 $0xCB00;
	s25 =	simm.s32 $0xD700;
	_ =	strace $0x8000004D  }
0x288: {  	v3 =	vld [tilespmem:s28+$0x40];
	_ =	sdelay $0x4  }
0x289: {  	v4 =	vperm.xlane v3, v0;
	_ =	sdelay $0x1  }
0x28a: {  	v3 =	vperm.xlane v3, v2;
	v4 =	vadd.s32 v1, v4;
	_ =	sdelay $0x1  }
0x28b: {  	v3 =	vadd.s32 v1, v3;
	_ =	sdelay $0x1  }
0x28c: {  	s0 =	simm.s32 $0x4B00  }
0x28d: {  	[tilespmem:s0], [sflag:$0x1] =	stream.indirect_vreg.gather [hbm4b:s1+s4], $0x80, v4, vm0, $0x2000b8;
	[tilespmem:$0x1CB00] =	vst v63  }
0x28e: {  	s26 =	simm.s32 $0x5700  }
0x28f: {  	[tilespmem:s26], [sflag:$0x1] =	stream.indirect_vreg.gather [hbm4b:s1+s4], $0x80, v3, vm0, $0x2000b8;
	[tilespmem:$0x1CB00] =	vst v63  }
0x290: {  	v3 =	vld [tilespmem:s28+$0x50];
	_ =	sdelay $0x4  }
0x291: {  	v53 =	vperm.xlane v3, v0;
	_ =	sdelay $0x1  }
0x292: {  	v3 =	vperm.xlane v3, v2;
	v4 =	vadd.s32 v1, v53;
	_ =	sdelay $0x1  }
0x293: {  	v3 =	vadd.s32 v1, v3;
	_ =	sdelay $0x1  }
0x294: {  	s2 =	simm.s32 $0x6300  }
0x295: {  	[tilespmem:s2], [sflag:$0x1] =	stream.indirect_vreg.gather [hbm4b:s1+s4], $0x80, v4, vm0, $0x2000b8;
	[tilespmem:$0x1CB00] =	vst v63  }
0x296: {  	s26 =	simm.s32 $0x6F00  }
0x297: {  	[tilespmem:s26], [sflag:$0x1] =	stream.indirect_vreg.gather [hbm4b:s1+s4], $0x80, v3, vm0, $0x2000b8;
	[tilespmem:$0x1CB00] =	vst v63  }
0x298: {  	v3 =	vld [tilespmem:s28+$0x60];
	_ =	sdelay $0x4  }
0x299: {  	v54 =	vperm.xlane v3, v0;
	_ =	sdelay $0x1  }
0x29a: {  	v3 =	vperm.xlane v3, v2;
	v4 =	vadd.s32 v1, v54;
	_ =	sdelay $0x1  }
0x29b: {  	v3 =	vadd.s32 v1, v3;
	_ =	sdelay $0x1  }
0x29c: {  	s2 =	simm.s32 $0x7B00  }
0x29d: {  	[tilespmem:s2], [sflag:$0x1] =	stream.indirect_vreg.gather [hbm4b:s1+s4], $0x80, v4, vm0, $0x2000b8;
	[tilespmem:$0x1CB00] =	vst v63  }
0x29e: {  	s26 =	simm.s32 $0x8700  }
0x29f: {  	[tilespmem:s26], [sflag:$0x1] =	stream.indirect_vreg.gather [hbm4b:s1+s4], $0x80, v3, vm0, $0x2000b8;
	[tilespmem:$0x1CB00] =	vst v63  }
0x2a0: {  	v3 =	vld [tilespmem:s28+$0x70];
	_ =	sdelay $0x4  }
0x2a1: {  	v55 =	vperm.xlane v3, v0;
	_ =	sdelay $0x1  }
0x2a2: {  	v3 =	vperm.xlane v3, v2;
	v4 =	vadd.s32 v1, v55;
	_ =	sdelay $0x1  }
0x2a3: {  	v3 =	vadd.s32 v1, v3;
	_ =	sdelay $0x1  }
0x2a4: {  	s2 =	simm.s32 $0x9300  }
0x2a5: {  	[tilespmem:s2], [sflag:$0x1] =	stream.indirect_vreg.gather [hbm4b:s1+s4], $0x80, v4, vm0, $0x2000b8;
	[tilespmem:$0x1CB00] =	vst v63  }
0x2a6: {  	s26 =	simm.s32 $0x9F00  }
0x2a7: {  	[tilespmem:s26], [sflag:$0x1] =	stream.indirect_vreg.gather [hbm4b:s1+s4], $0x80, v3, vm0, $0x2000b8;
	[tilespmem:$0x1CB00] =	vst v63  }
0x2a8: {  	v3 =	vld [tilespmem:s29+$0x40];
	_ =	sdelay $0x4  }
0x2a9: {  	v56 =	vperm.xlane v3, v0;
	_ =	sdelay $0x1  }
0x2aa: {  	v3 =	vperm.xlane v3, v2;
	v4 =	vadd.s32 v1, v56;
	_ =	sdelay $0x1  }
0x2ab: {  	v3 =	vadd.s32 v1, v3;
	_ =	sdelay $0x1  }
0x2ac: {  	s2 =	simm.s32 $0x4F00  }
0x2ad: {  	[tilespmem:s2], [sflag:$0x2] =	stream.indirect_vreg.gather [hbm4b:s3+s4], $0x80, v4, vm0, $0x2000b8;
	[tilespmem:$0x1CB00] =	vst v63  }
0x2ae: {  	s26 =	simm.s32 $0x5B00  }
0x2af: {  	[tilespmem:s26], [sflag:$0x2] =	stream.indirect_vreg.gather [hbm4b:s3+s4], $0x80, v3, vm0, $0x2000b8;
	[tilespmem:$0x1CB00] =	vst v63  }
0x2b0: {  	v3 =	vld [tilespmem:s29+$0x50];
	_ =	sdelay $0x4  }
0x2b1: {  	v57 =	vperm.xlane v3, v0;
	_ =	sdelay $0x1  }
0x2b2: {  	v3 =	vperm.xlane v3, v2;
	v4 =	vadd.s32 v1, v57;
	_ =	sdelay $0x1  }
0x2b3: {  	v3 =	vadd.s32 v1, v3;
	_ =	sdelay $0x1  }
0x2b4: {  	s2 =	simm.s32 $0x6700  }
0x2b5: {  	[tilespmem:s2], [sflag:$0x2] =	stream.indirect_vreg.gather [hbm4b:s3+s4], $0x80, v4, vm0, $0x2000b8;
	[tilespmem:$0x1CB00] =	vst v63  }
0x2b6: {  	s26 =	simm.s32 $0x7300  }
0x2b7: {  	[tilespmem:s26], [sflag:$0x2] =	stream.indirect_vreg.gather [hbm4b:s3+s4], $0x80, v3, vm0, $0x2000b8;
	[tilespmem:$0x1CB00] =	vst v63  }
0x2b8: {  	v3 =	vld [tilespmem:s29+$0x60];
	_ =	sdelay $0x4  }
0x2b9: {  	v58 =	vperm.xlane v3, v0;
	_ =	sdelay $0x1  }
0x2ba: {  	v3 =	vperm.xlane v3, v2;
	v4 =	vadd.s32 v1, v58;
	_ =	sdelay $0x1  }
0x2bb: {  	v3 =	vadd.s32 v1, v3;
	_ =	sdelay $0x1  }
0x2bc: {  	s2 =	simm.s32 $0x7F00  }
0x2bd: {  	[tilespmem:s2], [sflag:$0x2] =	stream.indirect_vreg.gather [hbm4b:s3+s4], $0x80, v4, vm0, $0x2000b8;
	[tilespmem:$0x1CB00] =	vst v63  }
0x2be: {  	s26 =	simm.s32 $0x8B00  }
0x2bf: {  	[tilespmem:s26], [sflag:$0x2] =	stream.indirect_vreg.gather [hbm4b:s3+s4], $0x80, v3, vm0, $0x2000b8;
	[tilespmem:$0x1CB00] =	vst v63  }
0x2c0: {  	v3 =	vld [tilespmem:s29+$0x70];
	_ =	sdelay $0x4  }
0x2c1: {  	v59 =	vperm.xlane v3, v0;
	_ =	sdelay $0x1  }
0x2c2: {  	v3 =	vperm.xlane v3, v2;
	v4 =	vadd.s32 v1, v59;
	_ =	sdelay $0x1  }
0x2c3: {  	v3 =	vadd.s32 v1, v3;
	_ =	sdelay $0x1  }
0x2c4: {  	s2 =	simm.s32 $0x9700  }
0x2c5: {  	[tilespmem:s2], [sflag:$0x2] =	stream.indirect_vreg.gather [hbm4b:s3+s4], $0x80, v4, vm0, $0x2000b8;
	[tilespmem:$0x1CB00] =	vst v63  }
0x2c6: {  	s26 =	simm.s32 $0xA300  }
0x2c7: {  	[tilespmem:s26], [sflag:$0x2] =	stream.indirect_vreg.gather [hbm4b:s3+s4], $0x80, v3, vm0, $0x2000b8;
	[tilespmem:$0x1CB00] =	vst v63  }
0x2c8: {  	v3 =	vld [tilespmem:s30+$0x40];
	_ =	sdelay $0x4  }
0x2c9: {  	v60 =	vperm.xlane v3, v0;
	_ =	sdelay $0x1  }
0x2ca: {  	v3 =	vperm.xlane v3, v2;
	v4 =	vadd.s32 v1, v60;
	_ =	sdelay $0x1  }
0x2cb: {  	v3 =	vadd.s32 v1, v3;
	_ =	sdelay $0x1  }
0x2cc: {  	s2 =	simm.s32 $0x5300  }
0x2cd: {  	[tilespmem:s2], [sflag:$0x3] =	stream.indirect_vreg.gather [hbm4b:s1+s4], $0x80, v4, vm0, $0x2000b8;
	[tilespmem:$0x1CB00] =	vst v63  }
0x2ce: {  	s26 =	simm.s32 $0x5F00  }
0x2cf: {  	[tilespmem:s26], [sflag:$0x3] =	stream.indirect_vreg.gather [hbm4b:s1+s4], $0x80, v3, vm0, $0x2000b8;
	[tilespmem:$0x1CB00] =	vst v63  }
0x2d0: {  	v3 =	vld [tilespmem:s30+$0x50];
	_ =	sdelay $0x4  }
0x2d1: {  	v61 =	vperm.xlane v3, v0;
	_ =	sdelay $0x1  }
0x2d2: {  	v3 =	vperm.xlane v3, v2;
	v4 =	vadd.s32 v1, v61;
	_ =	sdelay $0x1  }
0x2d3: {  	v3 =	vadd.s32 v1, v3;
	_ =	sdelay $0x1  }
0x2d4: {  	s2 =	simm.s32 $0x6B00  }
0x2d5: {  	[tilespmem:s2], [sflag:$0x3] =	stream.indirect_vreg.gather [hbm4b:s1+s4], $0x80, v4, vm0, $0x2000b8;
	[tilespmem:$0x1CB00] =	vst v63  }
0x2d6: {  	s26 =	simm.s32 $0x7700  }
0x2d7: {  	[tilespmem:s26], [sflag:$0x3] =	stream.indirect_vreg.gather [hbm4b:s1+s4], $0x80, v3, vm0, $0x2000b8;
	[tilespmem:$0x1CB00] =	vst v63  }
0x2d8: {  	v3 =	vld [tilespmem:s30+$0x60];
	_ =	sdelay $0x4  }
0x2d9: {  	v62 =	vperm.xlane v3, v0;
	_ =	sdelay $0x1  }
0x2da: {  	v3 =	vperm.xlane v3, v2;
	v4 =	vadd.s32 v1, v62;
	_ =	sdelay $0x1  }
0x2db: {  	v3 =	vadd.s32 v1, v3;
	_ =	sdelay $0x1  }
0x2dc: {  	s2 =	simm.s32 $0x8300  }
0x2dd: {  	[tilespmem:s2], [sflag:$0x3] =	stream.indirect_vreg.gather [hbm4b:s1+s4], $0x80, v4, vm0, $0x2000b8;
	[tilespmem:$0x1CB00] =	vst v63  }
0x2de: {  	s26 =	simm.s32 $0x8F00  }
0x2df: {  	[tilespmem:s26], [sflag:$0x3] =	stream.indirect_vreg.gather [hbm4b:s1+s4], $0x80, v3, vm0, $0x2000b8;
	[tilespmem:$0x1CB00] =	vst v63  }
0x2e0: {  	v3 =	vld [tilespmem:s30+$0x70];
	_ =	sdelay $0x4  }
0x2e1: {  	v63 =	vperm.xlane v3, v0;
	_ =	sdelay $0x1  }
0x2e2: {  	v3 =	vperm.xlane v3, v2;
	v4 =	vadd.s32 v1, v63;
	_ =	sdelay $0x1  }
0x2e3: {  	v3 =	vadd.s32 v1, v3;
	_ =	sdelay $0x1  }
0x2e4: {  	s2 =	simm.s32 $0x9B00  }
0x2e5: {  	[tilespmem:s2], [sflag:$0x3] =	stream.indirect_vreg.gather [hbm4b:s1+s4], $0x80, v4, vm0, $0x2000b8;
	[tilespmem:$0x1CB00] =	vst v63  }
0x2e6: {  	s26 =	simm.s32 $0xA700  }
0x2e7: {  	[tilespmem:s26], [sflag:$0x3] =	stream.indirect_vreg.gather [hbm4b:s1+s4], $0x80, v3, vm0, $0x2000b8;
	[tilespmem:$0x1CB00] =	vst v63  }
.LBB2_4:
0x2e8: {  	_ =	strace $0x9000004D;
	s0 =	simm.s32 $0xA  }
0x2e9: {  	_ =	swait.ge [sflag:s0], $0x2000  }
0x2ea: {  	[sflag:s0] =	ssyncset.done $0x0;
	s2 =	rddreg [dreg:$0xd]  }
0x2eb: {  	[sflag:s0] =	ssyncadd.s32 $0xFFFFE000;
	s0 =	sadd.s32 s31, s2;
	s2 =	simm.s32 $0x16B00  }
0x2ec: {  	[hbm4b:s0+s4] =	stream.linear.scatter [tilespmem:s2], [sflag:$0x10], $0x400, $0x38;
	[tilespmem:$0x1CB00] =	vst v63  }
0x2ed: {  	s26 =	simm.s32 $0x17700;
	s2 =	sadd.s32 $0x180, s0  }
0x2ee: {  	[hbm4b:s2+s4] =	stream.linear.scatter [tilespmem:s26], [sflag:$0x10], $0x400, $0x38;
	[tilespmem:$0x1CB00] =	vst v63  }
0x2ef: {  	s2 =	sadd.s32 $0x300, s0;
	s26 =	simm.s32 $0x18300  }
0x2f0: {  	[hbm4b:s2+s4] =	stream.linear.scatter [tilespmem:s26], [sflag:$0x10], $0x400, $0x38;
	[tilespmem:$0x1CB00] =	vst v63  }
0x2f1: {  	s2 =	sadd.s32 $0x480, s0;
	s26 =	simm.s32 $0x18F00  }
0x2f2: {  	[hbm4b:s2+s4] =	stream.linear.scatter [tilespmem:s26], [sflag:$0x10], $0x400, $0x38;
	[tilespmem:$0x1CB00] =	vst v63  }
0x2f3: {  	s2 =	sadd.s32 $0x600, s0;
	s26 =	simm.s32 $0x19B00  }
0x2f4: {  	[hbm4b:s2+s4] =	stream.linear.scatter [tilespmem:s26], [sflag:$0x10], $0x400, $0x38;
	[tilespmem:$0x1CB00] =	vst v63  }
0x2f5: {  	s2 =	sadd.s32 $0x780, s0;
	s26 =	simm.s32 $0x1A700  }
0x2f6: {  	[hbm4b:s2+s4] =	stream.linear.scatter [tilespmem:s26], [sflag:$0x10], $0x400, $0x38;
	[tilespmem:$0x1CB00] =	vst v63  }
0x2f7: {  	s2 =	sadd.s32 $0x900, s0;
	s26 =	simm.s32 $0x1B300  }
0x2f8: {  	[hbm4b:s2+s4] =	stream.linear.scatter [tilespmem:s26], [sflag:$0x10], $0x400, $0x38;
	[tilespmem:$0x1CB00] =	vst v63  }
0x2f9: {  	s2 =	sadd.s32 $0xA80, s0;
	s26 =	simm.s32 $0x1BF00  }
0x2fa: {  	[hbm4b:s2+s4] =	stream.linear.scatter [tilespmem:s26], [sflag:$0x10], $0x400, $0x38;
	[tilespmem:$0x1CB00] =	vst v63  }
0x2fb: {  	s26 =	simm.s32 $0xB  }
0x2fc: {  	_ =	swait.ge [sflag:s26], $0x2000  }
0x2fd: {  	[sflag:s26] =	ssyncset.done $0x0  }
0x2fe: {  	s2 =	sadd.s32 $0x80, s0;
	[sflag:s26] =	ssyncadd.s32 $0xFFFFE000;
	s26 =	simm.s32 $0x16F00  }
0x2ff: {  	[hbm4b:s2+s4] =	stream.linear.scatter [tilespmem:s26], [sflag:$0x10], $0x400, $0x38;
	[tilespmem:$0x1CB00] =	vst v63  }
0x300: {  	s2 =	sadd.s32 $0x200, s0;
	s26 =	simm.s32 $0x17B00  }
0x301: {  	[hbm4b:s2+s4] =	stream.linear.scatter [tilespmem:s26], [sflag:$0x10], $0x400, $0x38;
	[tilespmem:$0x1CB00] =	vst v63  }
0x302: {  	s2 =	sadd.s32 $0x380, s0;
	s26 =	simm.s32 $0x18700  }
0x303: {  	[hbm4b:s2+s4] =	stream.linear.scatter [tilespmem:s26], [sflag:$0x10], $0x400, $0x38;
	[tilespmem:$0x1CB00] =	vst v63  }
0x304: {  	s2 =	sadd.s32 $0x500, s0;
	s26 =	simm.s32 $0x19300  }
0x305: {  	[hbm4b:s2+s4] =	stream.linear.scatter [tilespmem:s26], [sflag:$0x10], $0x400, $0x38;
	[tilespmem:$0x1CB00] =	vst v63  }
0x306: {  	s2 =	sadd.s32 $0x680, s0;
	s26 =	simm.s32 $0x19F00  }
0x307: {  	[hbm4b:s2+s4] =	stream.linear.scatter [tilespmem:s26], [sflag:$0x10], $0x400, $0x38;
	[tilespmem:$0x1CB00] =	vst v63  }
0x308: {  	s2 =	sadd.s32 $0x800, s0;
	s26 =	simm.s32 $0x1AB00  }
0x309: {  	[hbm4b:s2+s4] =	stream.linear.scatter [tilespmem:s26], [sflag:$0x10], $0x400, $0x38;
	[tilespmem:$0x1CB00] =	vst v63  }
0x30a: {  	s2 =	sadd.s32 $0x980, s0;
	s26 =	simm.s32 $0x1B700  }
0x30b: {  	[hbm4b:s2+s4] =	stream.linear.scatter [tilespmem:s26], [sflag:$0x10], $0x400, $0x38;
	[tilespmem:$0x1CB00] =	vst v63  }
0x30c: {  	s2 =	sadd.s32 $0xB00, s0;
	s26 =	simm.s32 $0x1C300  }
0x30d: {  	[hbm4b:s2+s4] =	stream.linear.scatter [tilespmem:s26], [sflag:$0x10], $0x400, $0x38;
	[tilespmem:$0x1CB00] =	vst v63  }
0x30e: {  	s26 =	simm.s32 $0xC  }
0x30f: {  	_ =	swait.ge [sflag:s26], $0x2000  }
0x310: {  	[sflag:s26] =	ssyncset.done $0x0  }
0x311: {  	s2 =	sadd.s32 $0x100, s0;
	[sflag:s26] =	ssyncadd.s32 $0xFFFFE000;
	s26 =	simm.s32 $0x17300  }
0x312: {  	[hbm4b:s2+s4] =	stream.linear.scatter [tilespmem:s26], [sflag:$0x10], $0x400, $0x38;
	[tilespmem:$0x1CB00] =	vst v63  }
0x313: {  	s2 =	sadd.s32 $0x280, s0;
	s26 =	simm.s32 $0x17F00  }
0x314: {  	[hbm4b:s2+s4] =	stream.linear.scatter [tilespmem:s26], [sflag:$0x10], $0x400, $0x38;
	[tilespmem:$0x1CB00] =	vst v63  }
0x315: {  	s2 =	sadd.s32 $0x400, s0;
	s26 =	simm.s32 $0x18B00  }
0x316: {  	[hbm4b:s2+s4] =	stream.linear.scatter [tilespmem:s26], [sflag:$0x10], $0x400, $0x38;
	[tilespmem:$0x1CB00] =	vst v63  }
0x317: {  	s2 =	sadd.s32 $0x580, s0;
	s26 =	simm.s32 $0x19700  }
0x318: {  	[hbm4b:s2+s4] =	stream.linear.scatter [tilespmem:s26], [sflag:$0x10], $0x400, $0x38;
	[tilespmem:$0x1CB00] =	vst v63  }
0x319: {  	s2 =	sadd.s32 $0x700, s0;
	s26 =	simm.s32 $0x1A300  }
0x31a: {  	[hbm4b:s2+s4] =	stream.linear.scatter [tilespmem:s26], [sflag:$0x10], $0x400, $0x38;
	[tilespmem:$0x1CB00] =	vst v63  }
0x31b: {  	s2 =	sadd.s32 $0x880, s0;
	s26 =	simm.s32 $0x1AF00  }
0x31c: {  	[hbm4b:s2+s4] =	stream.linear.scatter [tilespmem:s26], [sflag:$0x10], $0x400, $0x38;
	[tilespmem:$0x1CB00] =	vst v63  }
0x31d: {  	s2 =	sadd.s32 $0xA00, s0;
	s26 =	simm.s32 $0x1BB00  }
0x31e: {  	[hbm4b:s2+s4] =	stream.linear.scatter [tilespmem:s26], [sflag:$0x10], $0x400, $0x38;
	[tilespmem:$0x1CB00] =	vst v63  }
0x31f: {  	s0 =	sadd.s32 $0xB80, s0;
	s26 =	simm.s32 $0x1C700  }
0x320: {  	[hbm4b:s0+s4] =	stream.linear.scatter [tilespmem:s26], [sflag:$0x10], $0x400, $0x38;
	[tilespmem:$0x1CB00] =	vst v63  }
0x321: {  	s26 =	simm.s32 $0xE;
	_ =	strace $0x8000004E  }
0x322: {  	_ =	swait.ge [sflag:s26], $0x2000  }
0x323: {  	[sflag:s26] =	ssyncset.done $0x0  }
0x324: {  	[sflag:s26] =	ssyncadd.s32 $0xFFFFE000  }
0x325: {  	_ =	swait.ge [sflag:s26], $0x2000  }
0x326: {  	[sflag:s26] =	ssyncset.done $0x0  }
0x327: {  	[sflag:s26] =	ssyncadd.s32 $0xFFFFE000  }
.Ltmp3:
0x328: {  	_ =	swait.ge [sflag:s26], $0x2000;
	(pc) =	sbr.rel @p0 .LBB2_6-.Ltmp3, $4  }
0x329: {  	[sflag:s26] =	ssyncset.done $0x0  }
0x32a: {  	[sflag:s26] =	ssyncadd.s32 $0xFFFFE000  }
0x32b: {  	_ =	strace $0x9000004E  }
0x32c: {  	_ =	strace $0x8000004F  }
0x32d: {  	v3 =	vld [tilespmem:s28+$0x80];
	_ =	sdelay $0x4  }
0x32e: {  	v4 =	vperm.xlane v3, v0;
	_ =	sdelay $0x1  }
0x32f: {  	v3 =	vperm.xlane v3, v2;
	v4 =	vadd.s32 v1, v4;
	_ =	sdelay $0x1  }
0x330: {  	v3 =	vadd.s32 v1, v3;
	_ =	sdelay $0x2  }
0x331: {  	[tilespmem:s14], [sflag:$0x4] =	stream.indirect_vreg.gather [hbm4b:s1+s4], $0x80, v4, vm0, $0x2000b8;
	[tilespmem:$0x1CB00] =	vst v63  }
0x332: {  	_ = 	snop  }
0x333: {  	[tilespmem:s15], [sflag:$0x4] =	stream.indirect_vreg.gather [hbm4b:s1+s4], $0x80, v3, vm0, $0x2000b8;
	[tilespmem:$0x1CB00] =	vst v63  }
0x334: {  	v3 =	vld [tilespmem:s28+$0x90];
	_ =	sdelay $0x4  }
0x335: {  	v53 =	vperm.xlane v3, v0;
	_ =	sdelay $0x1  }
0x336: {  	v3 =	vperm.xlane v3, v2;
	v4 =	vadd.s32 v1, v53;
	_ =	sdelay $0x1  }
0x337: {  	v3 =	vadd.s32 v1, v3;
	_ =	sdelay $0x2  }
0x338: {  	[tilespmem:s5], [sflag:$0x4] =	stream.indirect_vreg.gather [hbm4b:s1+s4], $0x80, v4, vm0, $0x2000b8;
	[tilespmem:$0x1CB00] =	vst v63  }
0x339: {  	_ = 	snop  }
0x33a: {  	[tilespmem:s6], [sflag:$0x4] =	stream.indirect_vreg.gather [hbm4b:s1+s4], $0x80, v3, vm0, $0x2000b8;
	[tilespmem:$0x1CB00] =	vst v63  }
0x33b: {  	v3 =	vld [tilespmem:s28+$0xA0];
	_ =	sdelay $0x4  }
0x33c: {  	v54 =	vperm.xlane v3, v0;
	_ =	sdelay $0x1  }
0x33d: {  	v3 =	vperm.xlane v3, v2;
	v4 =	vadd.s32 v1, v54;
	_ =	sdelay $0x1  }
0x33e: {  	v3 =	vadd.s32 v1, v3;
	_ =	sdelay $0x2  }
0x33f: {  	[tilespmem:s7], [sflag:$0x4] =	stream.indirect_vreg.gather [hbm4b:s1+s4], $0x80, v4, vm0, $0x2000b8;
	[tilespmem:$0x1CB00] =	vst v63  }
0x340: {  	_ = 	snop  }
0x341: {  	[tilespmem:s8], [sflag:$0x4] =	stream.indirect_vreg.gather [hbm4b:s1+s4], $0x80, v3, vm0, $0x2000b8;
	[tilespmem:$0x1CB00] =	vst v63  }
0x342: {  	v3 =	vld [tilespmem:s28+$0xB0];
	_ =	sdelay $0x4  }
0x343: {  	v55 =	vperm.xlane v3, v0;
	_ =	sdelay $0x1  }
0x344: {  	v3 =	vperm.xlane v3, v2;
	v4 =	vadd.s32 v1, v55;
	_ =	sdelay $0x1  }
0x345: {  	v3 =	vadd.s32 v1, v3;
	_ =	sdelay $0x2  }
0x346: {  	[tilespmem:s17], [sflag:$0x4] =	stream.indirect_vreg.gather [hbm4b:s1+s4], $0x80, v4, vm0, $0x2000b8;
	[tilespmem:$0x1CB00] =	vst v63  }
0x347: {  	_ = 	snop  }
0x348: {  	[tilespmem:s18], [sflag:$0x4] =	stream.indirect_vreg.gather [hbm4b:s1+s4], $0x80, v3, vm0, $0x2000b8;
	[tilespmem:$0x1CB00] =	vst v63  }
0x349: {  	v3 =	vld [tilespmem:s29+$0x80];
	_ =	sdelay $0x4  }
0x34a: {  	v56 =	vperm.xlane v3, v0;
	_ =	sdelay $0x1  }
0x34b: {  	v3 =	vperm.xlane v3, v2;
	v4 =	vadd.s32 v1, v56;
	_ =	sdelay $0x1  }
0x34c: {  	v3 =	vadd.s32 v1, v3;
	_ =	sdelay $0x2  }
0x34d: {  	[tilespmem:s9], [sflag:$0x5] =	stream.indirect_vreg.gather [hbm4b:s3+s4], $0x80, v4, vm0, $0x2000b8;
	[tilespmem:$0x1CB00] =	vst v63  }
0x34e: {  	_ = 	snop  }
0x34f: {  	[tilespmem:s10], [sflag:$0x5] =	stream.indirect_vreg.gather [hbm4b:s3+s4], $0x80, v3, vm0, $0x2000b8;
	[tilespmem:$0x1CB00] =	vst v63  }
0x350: {  	v3 =	vld [tilespmem:s29+$0x90];
	_ =	sdelay $0x4  }
0x351: {  	v57 =	vperm.xlane v3, v0;
	_ =	sdelay $0x1  }
0x352: {  	v3 =	vperm.xlane v3, v2;
	v4 =	vadd.s32 v1, v57;
	_ =	sdelay $0x1  }
0x353: {  	v3 =	vadd.s32 v1, v3;
	_ =	sdelay $0x2  }
0x354: {  	[tilespmem:s11], [sflag:$0x5] =	stream.indirect_vreg.gather [hbm4b:s3+s4], $0x80, v4, vm0, $0x2000b8;
	[tilespmem:$0x1CB00] =	vst v63  }
0x355: {  	_ = 	snop  }
0x356: {  	[tilespmem:s13], [sflag:$0x5] =	stream.indirect_vreg.gather [hbm4b:s3+s4], $0x80, v3, vm0, $0x2000b8;
	[tilespmem:$0x1CB00] =	vst v63  }
0x357: {  	v3 =	vld [tilespmem:s29+$0xA0];
	_ =	sdelay $0x4  }
0x358: {  	v58 =	vperm.xlane v3, v0;
	_ =	sdelay $0x1  }
0x359: {  	v3 =	vperm.xlane v3, v2;
	v4 =	vadd.s32 v1, v58;
	_ =	sdelay $0x1  }
0x35a: {  	v3 =	vadd.s32 v1, v3;
	_ =	sdelay $0x2  }
0x35b: {  	[tilespmem:s12], [sflag:$0x5] =	stream.indirect_vreg.gather [hbm4b:s3+s4], $0x80, v4, vm0, $0x2000b8;
	[tilespmem:$0x1CB00] =	vst v63  }
0x35c: {  	_ = 	snop  }
0x35d: {  	[tilespmem:s16], [sflag:$0x5] =	stream.indirect_vreg.gather [hbm4b:s3+s4], $0x80, v3, vm0, $0x2000b8;
	[tilespmem:$0x1CB00] =	vst v63  }
0x35e: {  	v3 =	vld [tilespmem:s29+$0xB0];
	_ =	sdelay $0x4  }
0x35f: {  	v59 =	vperm.xlane v3, v0;
	_ =	sdelay $0x1  }
0x360: {  	v3 =	vperm.xlane v3, v2;
	v4 =	vadd.s32 v1, v59;
	_ =	sdelay $0x1  }
0x361: {  	v3 =	vadd.s32 v1, v3;
	_ =	sdelay $0x2  }
0x362: {  	[tilespmem:s19], [sflag:$0x5] =	stream.indirect_vreg.gather [hbm4b:s3+s4], $0x80, v4, vm0, $0x2000b8;
	[tilespmem:$0x1CB00] =	vst v63  }
0x363: {  	_ = 	snop  }
0x364: {  	[tilespmem:s20], [sflag:$0x5] =	stream.indirect_vreg.gather [hbm4b:s3+s4], $0x80, v3, vm0, $0x2000b8;
	[tilespmem:$0x1CB00] =	vst v63  }
0x365: {  	v3 =	vld [tilespmem:s30+$0x80];
	_ =	sdelay $0x4  }
0x366: {  	v60 =	vperm.xlane v3, v0;
	_ =	sdelay $0x1  }
0x367: {  	v3 =	vperm.xlane v3, v2;
	v4 =	vadd.s32 v1, v60;
	_ =	sdelay $0x1  }
0x368: {  	v3 =	vadd.s32 v1, v3;
	_ =	sdelay $0x2  }
0x369: {  	[tilespmem:s21], [sflag:$0x6] =	stream.indirect_vreg.gather [hbm4b:s1+s4], $0x80, v4, vm0, $0x2000b8;
	[tilespmem:$0x1CB00] =	vst v63  }
0x36a: {  	_ = 	snop  }
0x36b: {  	[tilespmem:s23], [sflag:$0x6] =	stream.indirect_vreg.gather [hbm4b:s1+s4], $0x80, v3, vm0, $0x2000b8;
	[tilespmem:$0x1CB00] =	vst v63  }
0x36c: {  	v3 =	vld [tilespmem:s30+$0x90];
	_ =	sdelay $0x4  }
0x36d: {  	v61 =	vperm.xlane v3, v0;
	_ =	sdelay $0x1  }
0x36e: {  	v3 =	vperm.xlane v3, v2;
	v4 =	vadd.s32 v1, v61;
	_ =	sdelay $0x1  }
0x36f: {  	v3 =	vadd.s32 v1, v3;
	_ =	sdelay $0x2  }
0x370: {  	[tilespmem:s24], [sflag:$0x6] =	stream.indirect_vreg.gather [hbm4b:s1+s4], $0x80, v4, vm0, $0x2000b8;
	[tilespmem:$0x1CB00] =	vst v63  }
0x371: {  	_ = 	snop  }
0x372: {  	[tilespmem:s25], [sflag:$0x6] =	stream.indirect_vreg.gather [hbm4b:s1+s4], $0x80, v3, vm0, $0x2000b8;
	[tilespmem:$0x1CB00] =	vst v63  }
0x373: {  	v3 =	vld [tilespmem:s30+$0xA0];
	_ =	sdelay $0x4  }
0x374: {  	v62 =	vperm.xlane v3, v0;
	_ =	sdelay $0x1  }
0x375: {  	v3 =	vperm.xlane v3, v2;
	v4 =	vadd.s32 v1, v62;
	_ =	sdelay $0x1  }
0x376: {  	v3 =	vadd.s32 v1, v3;
	_ =	sdelay $0x2  }
0x377: {  	[tilespmem:s22], [sflag:$0x6] =	stream.indirect_vreg.gather [hbm4b:s1+s4], $0x80, v4, vm0, $0x2000b8;
	[tilespmem:$0x1CB00] =	vst v63  }
0x378: {  	s0 =	simm.s32 $0xEF00  }
0x379: {  	[tilespmem:s0], [sflag:$0x6] =	stream.indirect_vreg.gather [hbm4b:s1+s4], $0x80, v3, vm0, $0x2000b8;
	[tilespmem:$0x1CB00] =	vst v63  }
0x37a: {  	v3 =	vld [tilespmem:s30+$0xB0];
	_ =	sdelay $0x4  }
0x37b: {  	s26 =	simm.s32 $0xFB00;
	s31 =	sadd.s32 $0x3000, s31;
	s15 =	simm.s32 $0xAB00;
	v63 =	vperm.xlane v3, v0  }
0x37c: {  	s5 =	simm.s32 $0xB700;
	s6 =	simm.s32 $0xC300;
	s7 =	simm.s32 $0xCF00  }
0x37d: {  	s8 =	simm.s32 $0xDB00;
	s28 =	sadd.s32 $0x100, s28;
	s17 =	simm.s32 $0xE700;
	v3 =	vperm.xlane v3, v2;
	v4 =	vadd.s32 v1, v63  }
0x37e: {  	s18 =	simm.s32 $0xF300;
	s9 =	simm.s32 $0xFF00;
	s10 =	simm.s32 $0xAF00  }
0x37f: {  	s11 =	simm.s32 $0xBB00;
	s13 =	simm.s32 $0xC700;
	s12 =	simm.s32 $0xD300;
	v3 =	vadd.s32 v1, v3  }
0x380: {  	s16 =	simm.s32 $0xDF00;
	s29 =	sadd.s32 $0x100, s29;
	s19 =	simm.s32 $0xEB00  }
.Ltmp4:
0x381: {  	s20 =	simm.s32 $0xF700;
	s21 =	simm.s32 $0x10300;
	(pc) =	sbr.rel .LBB2_2-.Ltmp4, $4  }
0x382: {  	[tilespmem:s26], [sflag:$0x6] =	stream.indirect_vreg.gather [hbm4b:s1+s4], $0x80, v4, vm0, $0x2000b8;
	[tilespmem:$0x1CB00] =	vst v63  }
0x383: {  	s23 =	simm.s32 $0xB300;
	s24 =	simm.s32 $0xBF00;
	s22 =	simm.s32 $0x10700  }
0x384: {  	[tilespmem:s22], [sflag:$0x6] =	stream.indirect_vreg.gather [hbm4b:s1+s4], $0x80, v3, vm0, $0x2000b8;
	[tilespmem:$0x1CB00] =	vst v63  }
0x385: {  	s25 =	simm.s32 $0xCB00;
	s30 =	sadd.s32 $0x100, s30;
	_ =	strace $0x9000004F  }
.LBB2_7:
0x386: {  	_ =	sfence.sel $0x180000  }
0x387: {  	[bflag:$0x0] =	sbarrier.arrive $0xFFFF  }
0x388: {  	_ =	strace $0x90000047  }
0x389: {  	s0 =	stileid.u32;
	[bflag:$0x2] =	sbarrier.arrive $0xFFFF  }
0x38a: {  	p0 =	sne.s32 s0, $0x0;
	s0 =	rddreg [dreg:$0x6]  }
0x38b: {  	s0 =	sadd.s32 @!p0 $0x100000, s0  }
0x38c: {  	[sflag:s0] =	ssyncadd.tile.s32 @!p0 $0x1;
	_ =	shalt  }
.Lfunc_end2:
_tile_overlayer_lowered:
.L_overlay_start_2:
0x38d: {  	(tag) =	ssettag $0x2  }
0x38e: {  	s0 =	rddreg [dreg:$0x0];
	s2 =	stileid.u32  }
0x38f: {  	s1 =	rddreg [dreg:$0x1];
	p0 =	sne.s32 s2, $0x0  }
0x390: {  	s3 =	rddreg [dreg:$0x2];
	[bflag:$0x3] =	sbarrier.arrive $0xFFFF;
	s2 =	simm.s32 @!p0 $0x1C11  }
0x391: {  	[timem:s3], [sflag:s2] =	dma.local @!p0 [hbm:s0], s1  }
0x392: {  	s0 =	simm.s32 @!p0 $0x11  }
0x393: {  	_ =	swait.ge @!p0 [sflag:s0], s1  }
0x394: {  	s1 =	ssub.s32 @!p0 $0x0, s1;
	[sflag:s0] =	ssyncset.done @!p0 $0x0  }
0x395: {  	[sflag:s0] =	ssyncadd.s32 @!p0 s1  }
0x396: {  	[bflag:$0x3] =	sbarrier.arrive $0xFFFF  }
0x397: {  	_ =	shalt  }

</sc_bundles>
